<compile_context>
chip_gen: v7x
topology: tpu7x:2x2x1
jax: 0.10.2.dev20260603
libtpu: 0.0.44.dev20260713+nightly
codegen_flags: <defaults>
</compile_context>

<pallas_src>
import functools

import jax
import jax.numpy as jnp
from jax import lax
from jax.experimental import pallas as pl
from jax.experimental.pallas import tpu as pltpu
from jax.experimental.pallas import tpu_sc as plsc

_NC = 2
_NS = 16
_LANES = 128
_DUMMY = 32
_NBUF = 2
_NPHASE = 2


def _sc_aggregate(x, src1, dst1):
  N, D = x.shape
  G = src1.shape[0] // _LANES
  NW = _NC * _NS
  gpw = G // NW
  gps = gpw // _NPHASE
  rpt = (N // (8 * _NS)) * 8
  tail = N - rpt * _NS

  mesh = plsc.VectorSubcoreMesh(core_axis_name="c", subcore_axis_name="s")

  @functools.partial(
      pl.kernel,
      out_type=(jax.ShapeDtypeStruct((N, D), jnp.float32),
                jax.ShapeDtypeStruct((N, D), jnp.float32)),
      mesh=mesh,
      scratch_types=[
          pltpu.VMEM_SHARED((N + _DUMMY, D), jnp.float32),
          pltpu.VMEM((gps * _LANES,), jnp.int32),
          pltpu.VMEM((gps * _LANES,), jnp.int32),
          [pltpu.VMEM((_LANES, D), jnp.float32) for _ in range(_NBUF)],
          pltpu.SemaphoreType.DMA,
          [pltpu.SemaphoreType.DMA for _ in range(_NBUF)],
          [pltpu.SemaphoreType.DMA for _ in range(_NBUF)],
      ],
  )
  def agg_kernel(x_hbm, src_hbm, dst_hbm, out0_hbm, out1_hbm,
                 agg_sh, srcv, dstv, rows, isem, gsem, ssem):
    c = lax.axis_index("c")
    s = lax.axis_index("s")
    wid = s * _NC + c

    base_e = wid * gpw * _LANES
    pltpu.async_copy(src_hbm.at[pl.ds(base_e, gps * _LANES)], srcv, isem)
    pltpu.async_copy(dst_hbm.at[pl.ds(base_e, gps * _LANES)], dstv, isem)

    zeros16 = jnp.zeros((16,), jnp.float32)

    def zrow(i, carry):
      for j in range(D // 16):
        rows[0][i, pl.ds(j * 16, 16)] = zeros16
      return carry

    lax.fori_loop(0, _LANES, zrow, 0)

    def zero_span(base_row, nrows):
      off = 0
      while off < nrows:
        sz = min(_LANES, nrows - off)
        pltpu.sync_copy(rows[0].at[pl.ds(0, sz)],
                        agg_sh.at[pl.ds(base_row + off, sz)])
        off += sz

    base_row = s * rpt
    zero_span(base_row, rpt)
    if tail:
      @pl.when(s == 0)
      def _():
        zero_span(_NS * rpt, tail)

    pltpu.make_async_copy(src_hbm.at[pl.ds(base_e, gps * _LANES)], srcv,
                          isem).wait()
    pltpu.make_async_copy(dst_hbm.at[pl.ds(base_e, gps * _LANES)], dstv,
                          isem).wait()
    plsc.subcore_barrier()

    def gidx(ref, g):
      return ref.at[pl.ds(pl.multiple_of(g * _LANES, _LANES), _LANES)]

    def gather(g, b):
      pltpu.async_copy(x_hbm.at[gidx(srcv, g)], rows[b], gsem[b])

    def gather_wait(g, b):
      pltpu.make_async_copy(x_hbm.at[gidx(srcv, g)], rows[b], gsem[b]).wait()

    def scatter(g, b):
      pltpu.async_copy(rows[b], agg_sh.at[gidx(dstv, g)], ssem[b], add=True)

    def scatter_wait(g, b):
      pltpu.make_async_copy(rows[b], agg_sh.at[gidx(dstv, g)], ssem[b]).wait()

    def pair(o, carry):
      g0 = o * 2
      g1 = g0 + 1
      gather_wait(g0, 0)
      scatter(g0, 0)

      @pl.when(o > 0)
      def _():
        scatter_wait(g1 - 2, 1)

      gather(g1, 1)
      gather_wait(g1, 1)
      scatter(g1, 1)

      @pl.when(g0 + 2 < gps)
      def _():
        scatter_wait(g0, 0)
        gather(g0 + 2, 0)

      return carry

    for p in range(_NPHASE):
      if p > 0:
        pltpu.sync_copy(
            src_hbm.at[pl.ds(base_e + p * gps * _LANES, gps * _LANES)], srcv)
        pltpu.sync_copy(
            dst_hbm.at[pl.ds(base_e + p * gps * _LANES, gps * _LANES)], dstv)
      gather(0, 0)
      lax.fori_loop(0, gps // 2, pair, 0, unroll=2)
      scatter_wait(gps - 2, 0)
      scatter_wait(gps - 1, 1)
    plsc.subcore_barrier()

    def copy_out(out_hbm):
      pltpu.sync_copy(agg_sh.at[pl.ds(base_row, rpt)],
                      out_hbm.at[pl.ds(base_row, rpt)])
      if tail:
        @pl.when(s == 0)
        def _():
          pltpu.sync_copy(agg_sh.at[pl.ds(_NS * rpt, tail)],
                          out_hbm.at[pl.ds(_NS * rpt, tail)])

    @pl.when(c == 0)
    def _():
      copy_out(out0_hbm)

    @pl.when(c == 1)
    def _():
      copy_out(out1_hbm)

  return agg_kernel(x, src1, dst1)


def _tc_mlp(x, a0, a1, scale, W1, b1, g1, beta1, W2, b2, g2, beta2):
  N, D = x.shape
  H = W1.shape[1]
  BN = 1000
  grid = (N // BN,)
  bn = float(1.0 / (1.0 + 1e-5) ** 0.5)

  def body(scale_ref, x_ref, a0_ref, a1_ref, w1_ref, b1_ref, g1_ref, bb1_ref,
           w2_ref, b2_ref, g2_ref, bb2_ref, o_ref):
    s1 = bn * g1_ref[...]
    c1 = b1_ref[...] * s1 + bb1_ref[...]
    s2 = bn * g2_ref[...]
    c2 = b2_ref[...] * s2 + bb2_ref[...]
    h = scale_ref[0, 0] * x_ref[...] + a0_ref[...] + a1_ref[...]
    y = jnp.dot(h, w1_ref[...] * s1, preferred_element_type=jnp.float32)
    y = jnp.maximum(y + c1, 0.0)
    y = jnp.dot(y, w2_ref[...] * s2, preferred_element_type=jnp.float32)
    o_ref[...] = jnp.maximum(y + c2, 0.0)

  full = lambda shape: pl.BlockSpec(shape, lambda i: tuple(0 for _ in shape))
  return pl.pallas_call(
      body,
      grid=grid,
      in_specs=[
          pl.BlockSpec(memory_space=pltpu.SMEM),
          pl.BlockSpec((BN, D), lambda i: (i, 0)),
          pl.BlockSpec((BN, D), lambda i: (i, 0)),
          pl.BlockSpec((BN, D), lambda i: (i, 0)),
          full((D, H)), full((1, H)), full((1, H)), full((1, H)),
          full((H, D)), full((1, D)), full((1, D)), full((1, D)),
      ],
      out_specs=pl.BlockSpec((BN, D), lambda i: (i, 0)),
      out_shape=jax.ShapeDtypeStruct((N, D), jnp.float32),
  )(scale, x, a0, a1, W1, b1.reshape(1, H), g1.reshape(1, H),
    beta1.reshape(1, H), W2, b2.reshape(1, D), g2.reshape(1, D),
    beta2.reshape(1, D))


def kernel(x, ei, eps, W1, b1, g1, beta1, W2, b2, g2, beta2):
  N, D = x.shape
  E = ei.shape[1]

  unit = _LANES * _NC * _NS * 8
  E_pad = -(-E // unit) * unit
  pad = E_pad - E
  src = ei[0]
  dst = ei[1]
  if pad:
    fill = jnp.arange(pad, dtype=jnp.int32)
    src = jnp.concatenate([src, fill % N])
    dst = jnp.concatenate([dst, N + (fill % _DUMMY)])
  agg0, agg1 = _sc_aggregate(x, src, dst)

  scale = jnp.reshape(1.0 + eps, (1, 1))
  return _tc_mlp(x, agg0, agg1, scale, W1, b1, g1, beta1, W2, b2, g2, beta2)

# --- scband reference (transcript-rebuilt; emitter-appended) ---
"""Pipeline reference for scband-ginlayer-7035156431318 (READ-ONLY COPY).

The authoritative reference and input builder live on the scoring server;
editing this copy changes nothing except your own understanding.
"""

import jax, jax.numpy as jnp
import numpy as np

N, E, D = 10000, 320000, 128

def setup_inputs(seed: int = 0) -> dict:
    key = jax.random.key(seed)
    ks = jax.random.split(key, 8)
    x = jax.random.normal(ks[0], (N, D), dtype=jnp.float32)
    ei = jax.random.randint(ks[1], (2, E), 0, N, dtype=jnp.int32)
    # GINConv learned params (train_eps=True -> eps is a learnable scalar, init 0)
    eps = jnp.zeros((), dtype=jnp.float32)
    # MLP: Linear(D, 2D) -> BN(2D) -> ReLU -> Dropout -> Linear(2D, D) -> BN(D) -> ReLU
    W1 = jax.random.normal(ks[2], (D, 2 * D), dtype=jnp.float32) * (1.0 / np.sqrt(D))
    b1 = jnp.zeros((2 * D,), dtype=jnp.float32)
    g1 = jnp.ones((2 * D,), dtype=jnp.float32)
    beta1 = jnp.zeros((2 * D,), dtype=jnp.float32)
    W2 = jax.random.normal(ks[3], (2 * D, D), dtype=jnp.float32) * (1.0 / np.sqrt(2 * D))
    b2 = jnp.zeros((D,), dtype=jnp.float32)
    g2 = jnp.ones((D,), dtype=jnp.float32)
    beta2 = jnp.zeros((D,), dtype=jnp.float32)
    return {"x": x, "ei": ei, "eps": eps, "W1": W1, "b1": b1, "g1": g1,
            "beta1": beta1, "W2": W2, "b2": b2, "g2": g2, "beta2": beta2}

def reference(x, ei, eps, W1, b1, g1, beta1, W2, b2, g2, beta2):
    # GIN aggregation: gather source features, scatter-add to destination nodes
    src = ei[0]
    dst = ei[1]
    msgs = jnp.take(x, src, axis=0)                      # gather [E, D]
    agg = jax.ops.segment_sum(msgs, dst, num_segments=x.shape[0])  # scatter-add [N, D]
    h = (1.0 + eps) * x + agg
    # MLP (BatchNorm in eval mode with running_mean=0, running_var=1; Dropout = identity)
    bn_scale = 1.0 / jnp.sqrt(1.0 + 1e-5)
    y = h @ W1 + b1
    y = y * bn_scale * g1 + beta1
    y = jax.nn.relu(y)
    y = y @ W2 + b2
    y = y * bn_scale * g2 + beta2
    y = jax.nn.relu(y)
    return y

if __name__ == "__main__":
    import jax
    _d = setup_inputs()
    print(jax.jit(kernel)(*tuple(_d.values())))

</pallas_src>

<mosaic_0001>
#map = affine_map<(d0, d1) -> (0, 0)>
#map1 = affine_map<(d0, d1) -> (0)>
module attributes {stable_mosaic.version = 14 : i64} {
  func.func @agg_kernel(%arg0: i32, %arg1: i32, %arg2: memref<10000x128xf32, #tpu.memory_space<hbm>>, %arg3: memref<327680xi32, #tpu.memory_space<hbm>>, %arg4: memref<327680xi32, #tpu.memory_space<hbm>>, %arg5: memref<10000x128xf32, #tpu.memory_space<hbm>>, %arg6: memref<10000x128xf32, #tpu.memory_space<hbm>>, %arg7: memref<10032x128xf32, #tpu.memory_space<vmem_shared>>, %arg8: memref<5120xi32, #tpu.memory_space<vmem>>, %arg9: memref<5120xi32, #tpu.memory_space<vmem>>, %arg10: memref<128x128xf32, #tpu.memory_space<vmem>>, %arg11: memref<128x128xf32, #tpu.memory_space<vmem>>, %arg12: memref<!tpu.dma_semaphore, #tpu.memory_space<semaphore_mem>>, %arg13: memref<!tpu.dma_semaphore, #tpu.memory_space<semaphore_mem>>, %arg14: memref<!tpu.dma_semaphore, #tpu.memory_space<semaphore_mem>>, %arg15: memref<!tpu.dma_semaphore, #tpu.memory_space<semaphore_mem>>, %arg16: memref<!tpu.dma_semaphore, #tpu.memory_space<semaphore_mem>>) attributes {dimension_semantics = [#tpu.dimension_semantics<core_parallel>, #tpu.dimension_semantics<subcore_parallel>], iteration_bounds = array<i64: 2, 16>, scalar_prefetch = 0 : i64, scratch_operands = 10 : i64, tpu.core_type = #tpu.core_type<sc_vector_subcore>, window_params = [{transform_indices = #map}, {transform_indices = #map1}, {transform_indices = #map1}, {transform_indices = #map}, {transform_indices = #map}]} {
    %mul3A = arith.constant 2 : i32
    %mul3A_0 = arith.muli %arg1, %mul3A : i32
    %add3A = arith.addi %mul3A_0, %arg0 : i32
    %mul3A_1 = arith.constant 80 : i32
    %mul3A_2 = arith.muli %add3A, %mul3A_1 : i32
    %mul3A_3 = arith.constant 128 : i32
    %mul3A_4 = arith.muli %mul3A_2, %mul3A_3 : i32
    %dma_start3A = tpu.memref_slice %arg3[%mul3A_4] : memref<327680xi32, #tpu.memory_space<hbm>> -> memref<5120xi32, #tpu.memory_space<hbm>>
    %dma_start3A_5 = tpu.memref_slice %arg3[%mul3A_4] : memref<327680xi32, #tpu.memory_space<hbm>> -> memref<5120xi32, #tpu.memory_space<hbm>>
    tpu.enqueue_dma source(%dma_start3A_5 : memref<5120xi32, #tpu.memory_space<hbm>>) target(%arg8 : memref<5120xi32, #tpu.memory_space<vmem>>) target_semaphore(%arg12 : memref<!tpu.dma_semaphore, #tpu.memory_space<semaphore_mem>>)
    %dma_start3A_6 = tpu.memref_slice %arg4[%mul3A_4] : memref<327680xi32, #tpu.memory_space<hbm>> -> memref<5120xi32, #tpu.memory_space<hbm>>
    %dma_start3A_7 = tpu.memref_slice %arg4[%mul3A_4] : memref<327680xi32, #tpu.memory_space<hbm>> -> memref<5120xi32, #tpu.memory_space<hbm>>
    tpu.enqueue_dma source(%dma_start3A_7 : memref<5120xi32, #tpu.memory_space<hbm>>) target(%arg9 : memref<5120xi32, #tpu.memory_space<vmem>>) target_semaphore(%arg12 : memref<!tpu.dma_semaphore, #tpu.memory_space<semaphore_mem>>)
    %broadcast_in_dim3A = arith.constant 0.000000e+00 : f32
    %broadcast_in_dim3A_8 = vector.broadcast %broadcast_in_dim3A : f32 to vector<16xf32>
    %scan3A = arith.constant 0 : i32
    %scan3A_9 = arith.constant 0 : i32
    %scan3A_10 = arith.constant 128 : i32
    %scan3A_11 = arith.addi %scan3A_9, %scan3A_10 : i32
    %scan3A_12 = arith.constant 1 : i32
    scf.for %scan3A_93 = %scan3A_9 to %scan3A_11 step %scan3A_12  : i32 {
      %swap3A = arith.index_cast %scan3A_93 : i32 to index
      %swap3A_94 = arith.constant 0 : index
      %swap3A_95 = tpu.vector_load %arg10[%swap3A, %swap3A_94] {strides = array<i32>} : memref<128x128xf32, #tpu.memory_space<vmem>>, vector<1x16xf32>,
      %swap3A_96 = vector.shape_cast %swap3A_95 : vector<1x16xf32> to vector<16xf32>
      %swap3A_97 = vector.shape_cast %broadcast_in_dim3A_8 : vector<16xf32> to vector<1x16xf32>
      tpu.vector_store %arg10[%swap3A, %swap3A_94], %swap3A_97 {strides = array<i32>} : memref<128x128xf32, #tpu.memory_space<vmem>>, vector<1x16xf32>,
      %swap3A_98 = arith.index_cast %scan3A_93 : i32 to index
      %swap3A_99 = arith.constant 16 : index
      %swap3A_100 = tpu.vector_load %arg10[%swap3A_98, %swap3A_99] {strides = array<i32>} : memref<128x128xf32, #tpu.memory_space<vmem>>, vector<1x16xf32>,
      %swap3A_101 = vector.shape_cast %swap3A_100 : vector<1x16xf32> to vector<16xf32>
      %swap3A_102 = vector.shape_cast %broadcast_in_dim3A_8 : vector<16xf32> to vector<1x16xf32>
      tpu.vector_store %arg10[%swap3A_98, %swap3A_99], %swap3A_102 {strides = array<i32>} : memref<128x128xf32, #tpu.memory_space<vmem>>, vector<1x16xf32>,
      %swap3A_103 = arith.index_cast %scan3A_93 : i32 to index
      %swap3A_104 = arith.constant 32 : index
      %swap3A_105 = tpu.vector_load %arg10[%swap3A_103, %swap3A_104] {strides = array<i32>} : memref<128x128xf32, #tpu.memory_space<vmem>>, vector<1x16xf32>,
      %swap3A_106 = vector.shape_cast %swap3A_105 : vector<1x16xf32> to vector<16xf32>
      %swap3A_107 = vector.shape_cast %broadcast_in_dim3A_8 : vector<16xf32> to vector<1x16xf32>
      tpu.vector_store %arg10[%swap3A_103, %swap3A_104], %swap3A_107 {strides = array<i32>} : memref<128x128xf32, #tpu.memory_space<vmem>>, vector<1x16xf32>,
      %swap3A_108 = arith.index_cast %scan3A_93 : i32 to index
      %swap3A_109 = arith.constant 48 : index
      %swap3A_110 = tpu.vector_load %arg10[%swap3A_108, %swap3A_109] {strides = array<i32>} : memref<128x128xf32, #tpu.memory_space<vmem>>, vector<1x16xf32>,
      %swap3A_111 = vector.shape_cast %swap3A_110 : vector<1x16xf32> to vector<16xf32>
      %swap3A_112 = vector.shape_cast %broadcast_in_dim3A_8 : vector<16xf32> to vector<1x16xf32>
      tpu.vector_store %arg10[%swap3A_108, %swap3A_109], %swap3A_112 {strides = array<i32>} : memref<128x128xf32, #tpu.memory_space<vmem>>, vector<1x16xf32>,
      %swap3A_113 = arith.index_cast %scan3A_93 : i32 to index
      %swap3A_114 = arith.constant 64 : index
      %swap3A_115 = tpu.vector_load %arg10[%swap3A_113, %swap3A_114] {strides = array<i32>} : memref<128x128xf32, #tpu.memory_space<vmem>>, vector<1x16xf32>,
      %swap3A_116 = vector.shape_cast %swap3A_115 : vector<1x16xf32> to vector<16xf32>
      %swap3A_117 = vector.shape_cast %broadcast_in_dim3A_8 : vector<16xf32> to vector<1x16xf32>
      tpu.vector_store %arg10[%swap3A_113, %swap3A_114], %swap3A_117 {strides = array<i32>} : memref<128x128xf32, #tpu.memory_space<vmem>>, vector<1x16xf32>,
      %swap3A_118 = arith.index_cast %scan3A_93 : i32 to index
      %swap3A_119 = arith.constant 80 : index
      %swap3A_120 = tpu.vector_load %arg10[%swap3A_118, %swap3A_119] {strides = array<i32>} : memref<128x128xf32, #tpu.memory_space<vmem>>, vector<1x16xf32>,
      %swap3A_121 = vector.shape_cast %swap3A_120 : vector<1x16xf32> to vector<16xf32>
      %swap3A_122 = vector.shape_cast %broadcast_in_dim3A_8 : vector<16xf32> to vector<1x16xf32>
      tpu.vector_store %arg10[%swap3A_118, %swap3A_119], %swap3A_122 {strides = array<i32>} : memref<128x128xf32, #tpu.memory_space<vmem>>, vector<1x16xf32>,
      %swap3A_123 = arith.index_cast %scan3A_93 : i32 to index
      %swap3A_124 = arith.constant 96 : index
      %swap3A_125 = tpu.vector_load %arg10[%swap3A_123, %swap3A_124] {strides = array<i32>} : memref<128x128xf32, #tpu.memory_space<vmem>>, vector<1x16xf32>,
      %swap3A_126 = vector.shape_cast %swap3A_125 : vector<1x16xf32> to vector<16xf32>
      %swap3A_127 = vector.shape_cast %broadcast_in_dim3A_8 : vector<16xf32> to vector<1x16xf32>
      tpu.vector_store %arg10[%swap3A_123, %swap3A_124], %swap3A_127 {strides = array<i32>} : memref<128x128xf32, #tpu.memory_space<vmem>>, vector<1x16xf32>,
      %swap3A_128 = arith.index_cast %scan3A_93 : i32 to index
      %swap3A_129 = arith.constant 112 : index
      %swap3A_130 = tpu.vector_load %arg10[%swap3A_128, %swap3A_129] {strides = array<i32>} : memref<128x128xf32, #tpu.memory_space<vmem>>, vector<1x16xf32>,
      %swap3A_131 = vector.shape_cast %swap3A_130 : vector<1x16xf32> to vector<16xf32>
      %swap3A_132 = vector.shape_cast %broadcast_in_dim3A_8 : vector<16xf32> to vector<1x16xf32>
      tpu.vector_store %arg10[%swap3A_128, %swap3A_129], %swap3A_132 {strides = array<i32>} : memref<128x128xf32, #tpu.memory_space<vmem>>, vector<1x16xf32>,
    }
    %scan3A_13 = arith.constant 128 : i32
    %mul3A_14 = arith.constant 624 : i32
    %mul3A_15 = arith.muli %arg1, %mul3A_14 : i32
    %add3A_16 = arith.constant 0 : i32
    %add3A_17 = arith.addi %mul3A_15, %add3A_16 : i32
    "tpu.region"() ({
      %run_scoped3A = tpu.sem_alloc : memref<!tpu.dma_semaphore, #tpu.memory_space<semaphore_mem>>
      %dma_start3A_93 = arith.constant 0 : i32
      %dma_start3A_94 = arith.constant 0 : i32
      %dma_start3A_95 = tpu.memref_slice %arg10[%dma_start3A_93, %dma_start3A_94] : memref<128x128xf32, #tpu.memory_space<vmem>> -> memref<128x128xf32, #tpu.memory_space<vmem>>
      %dma_start3A_96 = arith.constant 0 : i32
      %dma_start3A_97 = tpu.memref_slice %arg7[%add3A_17, %dma_start3A_96] : memref<10032x128xf32, #tpu.memory_space<vmem_shared>> -> memref<128x128xf32, #tpu.memory_space<vmem_shared>>
      %dma_start3A_98 = arith.constant 0 : i32
      %dma_start3A_99 = tpu.memref_slice %arg7[%add3A_17, %dma_start3A_98] : memref<10032x128xf32, #tpu.memory_space<vmem_shared>> -> memref<128x128xf32, #tpu.memory_space<vmem_shared>>
      %dma_start3A_100 = arith.constant 0 : i32
      %dma_start3A_101 = arith.constant 0 : i32
      %dma_start3A_102 = tpu.memref_slice %arg10[%dma_start3A_100, %dma_start3A_101] : memref<128x128xf32, #tpu.memory_space<vmem>> -> memref<128x128xf32, #tpu.memory_space<vmem>>
      tpu.enqueue_dma source(%dma_start3A_102 : memref<128x128xf32, #tpu.memory_space<vmem>>) target(%dma_start3A_99 : memref<128x128xf32, #tpu.memory_space<vmem_shared>>) target_semaphore(%run_scoped3A : memref<!tpu.dma_semaphore, #tpu.memory_space<semaphore_mem>>)
      %dma_wait3A_103 = arith.constant 0 : i32
      %dma_wait3A_104 = arith.constant 0 : i32
      %dma_wait3A_105 = tpu.memref_slice %arg10[%dma_wait3A_103, %dma_wait3A_104] : memref<128x128xf32, #tpu.memory_space<vmem>> -> memref<128x128xf32, #tpu.memory_space<vmem>>
      %dma_wait3A_106 = arith.constant 0 : i32
      %dma_wait3A_107 = tpu.memref_slice %arg7[%add3A_17, %dma_wait3A_106] : memref<10032x128xf32, #tpu.memory_space<vmem_shared>> -> memref<128x128xf32, #tpu.memory_space<vmem_shared>>
      %dma_wait3A_108 = arith.constant 0 : i32
      %dma_wait3A_109 = tpu.memref_slice %arg7[%add3A_17, %dma_wait3A_108] : memref<10032x128xf32, #tpu.memory_space<vmem_shared>> -> memref<128x128xf32, #tpu.memory_space<vmem_shared>>
      %dma_wait3A_110 = arith.constant 0 : i32
      %dma_wait3A_111 = arith.constant 0 : i32
      %dma_wait3A_112 = tpu.memref_slice %arg10[%dma_wait3A_110, %dma_wait3A_111] : memref<128x128xf32, #tpu.memory_space<vmem>> -> memref<128x128xf32, #tpu.memory_space<vmem>>
      tpu.wait_dma2 semaphore(%run_scoped3A : memref<!tpu.dma_semaphore, #tpu.memory_space<semaphore_mem>>) src(%dma_wait3A_112 : memref<128x128xf32, #tpu.memory_space<vmem>>) dst(%dma_wait3A_109 : memref<128x128xf32, #tpu.memory_space<vmem_shared>>)
      tpu.yield
    }) : () -> ()
    %add3A_18 = arith.constant 128 : i32
    %add3A_19 = arith.addi %mul3A_15, %add3A_18 : i32
    "tpu.region"() ({
      %run_scoped3A = tpu.sem_alloc : memref<!tpu.dma_semaphore, #tpu.memory_space<semaphore_mem>>
      %dma_start3A_93 = arith.constant 0 : i32
      %dma_start3A_94 = arith.constant 0 : i32
      %dma_start3A_95 = tpu.memref_slice %arg10[%dma_start3A_93, %dma_start3A_94] : memref<128x128xf32, #tpu.memory_space<vmem>> -> memref<128x128xf32, #tpu.memory_space<vmem>>
      %dma_start3A_96 = arith.constant 0 : i32
      %dma_start3A_97 = tpu.memref_slice %arg7[%add3A_19, %dma_start3A_96] : memref<10032x128xf32, #tpu.memory_space<vmem_shared>> -> memref<128x128xf32, #tpu.memory_space<vmem_shared>>
      %dma_start3A_98 = arith.constant 0 : i32
      %dma_start3A_99 = tpu.memref_slice %arg7[%add3A_19, %dma_start3A_98] : memref<10032x128xf32, #tpu.memory_space<vmem_shared>> -> memref<128x128xf32, #tpu.memory_space<vmem_shared>>
      %dma_start3A_100 = arith.constant 0 : i32
      %dma_start3A_101 = arith.constant 0 : i32
      %dma_start3A_102 = tpu.memref_slice %arg10[%dma_start3A_100, %dma_start3A_101] : memref<128x128xf32, #tpu.memory_space<vmem>> -> memref<128x128xf32, #tpu.memory_space<vmem>>
      tpu.enqueue_dma source(%dma_start3A_102 : memref<128x128xf32, #tpu.memory_space<vmem>>) target(%dma_start3A_99 : memref<128x128xf32, #tpu.memory_space<vmem_shared>>) target_semaphore(%run_scoped3A : memref<!tpu.dma_semaphore, #tpu.memory_space<semaphore_mem>>)
      %dma_wait3A_103 = arith.constant 0 : i32
      %dma_wait3A_104 = arith.constant 0 : i32
      %dma_wait3A_105 = tpu.memref_slice %arg10[%dma_wait3A_103, %dma_wait3A_104] : memref<128x128xf32, #tpu.memory_space<vmem>> -> memref<128x128xf32, #tpu.memory_space<vmem>>
      %dma_wait3A_106 = arith.constant 0 : i32
      %dma_wait3A_107 = tpu.memref_slice %arg7[%add3A_19, %dma_wait3A_106] : memref<10032x128xf32, #tpu.memory_space<vmem_shared>> -> memref<128x128xf32, #tpu.memory_space<vmem_shared>>
      %dma_wait3A_108 = arith.constant 0 : i32
      %dma_wait3A_109 = tpu.memref_slice %arg7[%add3A_19, %dma_wait3A_108] : memref<10032x128xf32, #tpu.memory_space<vmem_shared>> -> memref<128x128xf32, #tpu.memory_space<vmem_shared>>
      %dma_wait3A_110 = arith.constant 0 : i32
      %dma_wait3A_111 = arith.constant 0 : i32
      %dma_wait3A_112 = tpu.memref_slice %arg10[%dma_wait3A_110, %dma_wait3A_111] : memref<128x128xf32, #tpu.memory_space<vmem>> -> memref<128x128xf32, #tpu.memory_space<vmem>>
      tpu.wait_dma2 semaphore(%run_scoped3A : memref<!tpu.dma_semaphore, #tpu.memory_space<semaphore_mem>>) src(%dma_wait3A_112 : memref<128x128xf32, #tpu.memory_space<vmem>>) dst(%dma_wait3A_109 : memref<128x128xf32, #tpu.memory_space<vmem_shared>>)
      tpu.yield
    }) : () -> ()
    %add3A_20 = arith.constant 256 : i32
    %add3A_21 = arith.addi %mul3A_15, %add3A_20 : i32
    "tpu.region"() ({
      %run_scoped3A = tpu.sem_alloc : memref<!tpu.dma_semaphore, #tpu.memory_space<semaphore_mem>>
      %dma_start3A_93 = arith.constant 0 : i32
      %dma_start3A_94 = arith.constant 0 : i32
      %dma_start3A_95 = tpu.memref_slice %arg10[%dma_start3A_93, %dma_start3A_94] : memref<128x128xf32, #tpu.memory_space<vmem>> -> memref<128x128xf32, #tpu.memory_space<vmem>>
      %dma_start3A_96 = arith.constant 0 : i32
      %dma_start3A_97 = tpu.memref_slice %arg7[%add3A_21, %dma_start3A_96] : memref<10032x128xf32, #tpu.memory_space<vmem_shared>> -> memref<128x128xf32, #tpu.memory_space<vmem_shared>>
      %dma_start3A_98 = arith.constant 0 : i32
      %dma_start3A_99 = tpu.memref_slice %arg7[%add3A_21, %dma_start3A_98] : memref<10032x128xf32, #tpu.memory_space<vmem_shared>> -> memref<128x128xf32, #tpu.memory_space<vmem_shared>>
      %dma_start3A_100 = arith.constant 0 : i32
      %dma_start3A_101 = arith.constant 0 : i32
      %dma_start3A_102 = tpu.memref_slice %arg10[%dma_start3A_100, %dma_start3A_101] : memref<128x128xf32, #tpu.memory_space<vmem>> -> memref<128x128xf32, #tpu.memory_space<vmem>>
      tpu.enqueue_dma source(%dma_start3A_102 : memref<128x128xf32, #tpu.memory_space<vmem>>) target(%dma_start3A_99 : memref<128x128xf32, #tpu.memory_space<vmem_shared>>) target_semaphore(%run_scoped3A : memref<!tpu.dma_semaphore, #tpu.memory_space<semaphore_mem>>)
      %dma_wait3A_103 = arith.constant 0 : i32
      %dma_wait3A_104 = arith.constant 0 : i32
      %dma_wait3A_105 = tpu.memref_slice %arg10[%dma_wait3A_103, %dma_wait3A_104] : memref<128x128xf32, #tpu.memory_space<vmem>> -> memref<128x128xf32, #tpu.memory_space<vmem>>
      %dma_wait3A_106 = arith.constant 0 : i32
      %dma_wait3A_107 = tpu.memref_slice %arg7[%add3A_21, %dma_wait3A_106] : memref<10032x128xf32, #tpu.memory_space<vmem_shared>> -> memref<128x128xf32, #tpu.memory_space<vmem_shared>>
      %dma_wait3A_108 = arith.constant 0 : i32
      %dma_wait3A_109 = tpu.memref_slice %arg7[%add3A_21, %dma_wait3A_108] : memref<10032x128xf32, #tpu.memory_space<vmem_shared>> -> memref<128x128xf32, #tpu.memory_space<vmem_shared>>
      %dma_wait3A_110 = arith.constant 0 : i32
      %dma_wait3A_111 = arith.constant 0 : i32
      %dma_wait3A_112 = tpu.memref_slice %arg10[%dma_wait3A_110, %dma_wait3A_111] : memref<128x128xf32, #tpu.memory_space<vmem>> -> memref<128x128xf32, #tpu.memory_space<vmem>>
      tpu.wait_dma2 semaphore(%run_scoped3A : memref<!tpu.dma_semaphore, #tpu.memory_space<semaphore_mem>>) src(%dma_wait3A_112 : memref<128x128xf32, #tpu.memory_space<vmem>>) dst(%dma_wait3A_109 : memref<128x128xf32, #tpu.memory_space<vmem_shared>>)
      tpu.yield
    }) : () -> ()
    %add3A_22 = arith.constant 384 : i32
    %add3A_23 = arith.addi %mul3A_15, %add3A_22 : i32
    "tpu.region"() ({
      %run_scoped3A = tpu.sem_alloc : memref<!tpu.dma_semaphore, #tpu.memory_space<semaphore_mem>>
      %dma_start3A_93 = arith.constant 0 : i32
      %dma_start3A_94 = arith.constant 0 : i32
      %dma_start3A_95 = tpu.memref_slice %arg10[%dma_start3A_93, %dma_start3A_94] : memref<128x128xf32, #tpu.memory_space<vmem>> -> memref<128x128xf32, #tpu.memory_space<vmem>>
      %dma_start3A_96 = arith.constant 0 : i32
      %dma_start3A_97 = tpu.memref_slice %arg7[%add3A_23, %dma_start3A_96] : memref<10032x128xf32, #tpu.memory_space<vmem_shared>> -> memref<128x128xf32, #tpu.memory_space<vmem_shared>>
      %dma_start3A_98 = arith.constant 0 : i32
      %dma_start3A_99 = tpu.memref_slice %arg7[%add3A_23, %dma_start3A_98] : memref<10032x128xf32, #tpu.memory_space<vmem_shared>> -> memref<128x128xf32, #tpu.memory_space<vmem_shared>>
      %dma_start3A_100 = arith.constant 0 : i32
      %dma_start3A_101 = arith.constant 0 : i32
      %dma_start3A_102 = tpu.memref_slice %arg10[%dma_start3A_100, %dma_start3A_101] : memref<128x128xf32, #tpu.memory_space<vmem>> -> memref<128x128xf32, #tpu.memory_space<vmem>>
      tpu.enqueue_dma source(%dma_start3A_102 : memref<128x128xf32, #tpu.memory_space<vmem>>) target(%dma_start3A_99 : memref<128x128xf32, #tpu.memory_space<vmem_shared>>) target_semaphore(%run_scoped3A : memref<!tpu.dma_semaphore, #tpu.memory_space<semaphore_mem>>)
      %dma_wait3A_103 = arith.constant 0 : i32
      %dma_wait3A_104 = arith.constant 0 : i32
      %dma_wait3A_105 = tpu.memref_slice %arg10[%dma_wait3A_103, %dma_wait3A_104] : memref<128x128xf32, #tpu.memory_space<vmem>> -> memref<128x128xf32, #tpu.memory_space<vmem>>
      %dma_wait3A_106 = arith.constant 0 : i32
      %dma_wait3A_107 = tpu.memref_slice %arg7[%add3A_23, %dma_wait3A_106] : memref<10032x128xf32, #tpu.memory_space<vmem_shared>> -> memref<128x128xf32, #tpu.memory_space<vmem_shared>>
      %dma_wait3A_108 = arith.constant 0 : i32
      %dma_wait3A_109 = tpu.memref_slice %arg7[%add3A_23, %dma_wait3A_108] : memref<10032x128xf32, #tpu.memory_space<vmem_shared>> -> memref<128x128xf32, #tpu.memory_space<vmem_shared>>
      %dma_wait3A_110 = arith.constant 0 : i32
      %dma_wait3A_111 = arith.constant 0 : i32
      %dma_wait3A_112 = tpu.memref_slice %arg10[%dma_wait3A_110, %dma_wait3A_111] : memref<128x128xf32, #tpu.memory_space<vmem>> -> memref<128x128xf32, #tpu.memory_space<vmem>>
      tpu.wait_dma2 semaphore(%run_scoped3A : memref<!tpu.dma_semaphore, #tpu.memory_space<semaphore_mem>>) src(%dma_wait3A_112 : memref<128x128xf32, #tpu.memory_space<vmem>>) dst(%dma_wait3A_109 : memref<128x128xf32, #tpu.memory_space<vmem_shared>>)
      tpu.yield
    }) : () -> ()
    %add3A_24 = arith.constant 512 : i32
    %add3A_25 = arith.addi %mul3A_15, %add3A_24 : i32
    "tpu.region"() ({
      %run_scoped3A = tpu.sem_alloc : memref<!tpu.dma_semaphore, #tpu.memory_space<semaphore_mem>>
      %dma_start3A_93 = arith.constant 0 : i32
      %dma_start3A_94 = arith.constant 0 : i32
      %dma_start3A_95 = tpu.memref_slice %arg10[%dma_start3A_93, %dma_start3A_94] : memref<128x128xf32, #tpu.memory_space<vmem>> -> memref<112x128xf32, #tpu.memory_space<vmem>>
      %dma_start3A_96 = arith.constant 0 : i32
      %dma_start3A_97 = tpu.memref_slice %arg7[%add3A_25, %dma_start3A_96] : memref<10032x128xf32, #tpu.memory_space<vmem_shared>> -> memref<112x128xf32, #tpu.memory_space<vmem_shared>>
      %dma_start3A_98 = arith.constant 0 : i32
      %dma_start3A_99 = tpu.memref_slice %arg7[%add3A_25, %dma_start3A_98] : memref<10032x128xf32, #tpu.memory_space<vmem_shared>> -> memref<112x128xf32, #tpu.memory_space<vmem_shared>>
      %dma_start3A_100 = arith.constant 0 : i32
      %dma_start3A_101 = arith.constant 0 : i32
      %dma_start3A_102 = tpu.memref_slice %arg10[%dma_start3A_100, %dma_start3A_101] : memref<128x128xf32, #tpu.memory_space<vmem>> -> memref<112x128xf32, #tpu.memory_space<vmem>>
      tpu.enqueue_dma source(%dma_start3A_102 : memref<112x128xf32, #tpu.memory_space<vmem>>) target(%dma_start3A_99 : memref<112x128xf32, #tpu.memory_space<vmem_shared>>) target_semaphore(%run_scoped3A : memref<!tpu.dma_semaphore, #tpu.memory_space<semaphore_mem>>)
      %dma_wait3A_103 = arith.constant 0 : i32
      %dma_wait3A_104 = arith.constant 0 : i32
      %dma_wait3A_105 = tpu.memref_slice %arg10[%dma_wait3A_103, %dma_wait3A_104] : memref<128x128xf32, #tpu.memory_space<vmem>> -> memref<112x128xf32, #tpu.memory_space<vmem>>
      %dma_wait3A_106 = arith.constant 0 : i32
      %dma_wait3A_107 = tpu.memref_slice %arg7[%add3A_25, %dma_wait3A_106] : memref<10032x128xf32, #tpu.memory_space<vmem_shared>> -> memref<112x128xf32, #tpu.memory_space<vmem_shared>>
      %dma_wait3A_108 = arith.constant 0 : i32
      %dma_wait3A_109 = tpu.memref_slice %arg7[%add3A_25, %dma_wait3A_108] : memref<10032x128xf32, #tpu.memory_space<vmem_shared>> -> memref<112x128xf32, #tpu.memory_space<vmem_shared>>
      %dma_wait3A_110 = arith.constant 0 : i32
      %dma_wait3A_111 = arith.constant 0 : i32
      %dma_wait3A_112 = tpu.memref_slice %arg10[%dma_wait3A_110, %dma_wait3A_111] : memref<128x128xf32, #tpu.memory_space<vmem>> -> memref<112x128xf32, #tpu.memory_space<vmem>>
      tpu.wait_dma2 semaphore(%run_scoped3A : memref<!tpu.dma_semaphore, #tpu.memory_space<semaphore_mem>>) src(%dma_wait3A_112 : memref<112x128xf32, #tpu.memory_space<vmem>>) dst(%dma_wait3A_109 : memref<112x128xf32, #tpu.memory_space<vmem_shared>>)
      tpu.yield
    }) : () -> ()
    %eq3A = arith.constant 0 : i32
    %eq3A_26 = arith.cmpi eq, %arg1, %eq3A : i32
    %convert_element_type3A = arith.extui %eq3A_26 : i1 to i32
    %cond3A = arith.constant 0 : i32
    %cond3A_27 = arith.cmpi ne, %convert_element_type3A, %cond3A : i32
    scf.if %cond3A_27 {
      "tpu.region"() ({
        %run_scoped3A = tpu.sem_alloc : memref<!tpu.dma_semaphore, #tpu.memory_space<semaphore_mem>>
        %dma_start3A_93 = arith.constant 0 : i32
        %dma_start3A_94 = arith.constant 0 : i32
        %dma_start3A_95 = tpu.memref_slice %arg10[%dma_start3A_93, %dma_start3A_94] : memref<128x128xf32, #tpu.memory_space<vmem>> -> memref<16x128xf32, #tpu.memory_space<vmem>>
        %dma_start3A_96 = arith.constant 9984 : i32
        %dma_start3A_97 = arith.constant 0 : i32
        %dma_start3A_98 = tpu.memref_slice %arg7[%dma_start3A_96, %dma_start3A_97] : memref<10032x128xf32, #tpu.memory_space<vmem_shared>> -> memref<16x128xf32, #tpu.memory_space<vmem_shared>>
        %dma_start3A_99 = arith.constant 9984 : i32
        %dma_start3A_100 = arith.constant 0 : i32
        %dma_start3A_101 = tpu.memref_slice %arg7[%dma_start3A_99, %dma_start3A_100] : memref<10032x128xf32, #tpu.memory_space<vmem_shared>> -> memref<16x128xf32, #tpu.memory_space<vmem_shared>>
        %dma_start3A_102 = arith.constant 0 : i32
        %dma_start3A_103 = arith.constant 0 : i32
        %dma_start3A_104 = tpu.memref_slice %arg10[%dma_start3A_102, %dma_start3A_103] : memref<128x128xf32, #tpu.memory_space<vmem>> -> memref<16x128xf32, #tpu.memory_space<vmem>>
        tpu.enqueue_dma source(%dma_start3A_104 : memref<16x128xf32, #tpu.memory_space<vmem>>) target(%dma_start3A_101 : memref<16x128xf32, #tpu.memory_space<vmem_shared>>) target_semaphore(%run_scoped3A : memref<!tpu.dma_semaphore, #tpu.memory_space<semaphore_mem>>)
        %dma_wait3A_105 = arith.constant 0 : i32
        %dma_wait3A_106 = arith.constant 0 : i32
        %dma_wait3A_107 = tpu.memref_slice %arg10[%dma_wait3A_105, %dma_wait3A_106] : memref<128x128xf32, #tpu.memory_space<vmem>> -> memref<16x128xf32, #tpu.memory_space<vmem>>
        %dma_wait3A_108 = arith.constant 9984 : i32
        %dma_wait3A_109 = arith.constant 0 : i32
        %dma_wait3A_110 = tpu.memref_slice %arg7[%dma_wait3A_108, %dma_wait3A_109] : memref<10032x128xf32, #tpu.memory_space<vmem_shared>> -> memref<16x128xf32, #tpu.memory_space<vmem_shared>>
        %dma_wait3A_111 = arith.constant 9984 : i32
        %dma_wait3A_112 = arith.constant 0 : i32
        %dma_wait3A_113 = tpu.memref_slice %arg7[%dma_wait3A_111, %dma_wait3A_112] : memref<10032x128xf32, #tpu.memory_space<vmem_shared>> -> memref<16x128xf32, #tpu.memory_space<vmem_shared>>
        %dma_wait3A_114 = arith.constant 0 : i32
        %dma_wait3A_115 = arith.constant 0 : i32
        %dma_wait3A_116 = tpu.memref_slice %arg10[%dma_wait3A_114, %dma_wait3A_115] : memref<128x128xf32, #tpu.memory_space<vmem>> -> memref<16x128xf32, #tpu.memory_space<vmem>>
        tpu.wait_dma2 semaphore(%run_scoped3A : memref<!tpu.dma_semaphore, #tpu.memory_space<semaphore_mem>>) src(%dma_wait3A_116 : memref<16x128xf32, #tpu.memory_space<vmem>>) dst(%dma_wait3A_113 : memref<16x128xf32, #tpu.memory_space<vmem_shared>>)
        tpu.yield
      }) : () -> ()
    } else {
    }
    %dma_wait3A = tpu.memref_slice %arg3[%mul3A_4] : memref<327680xi32, #tpu.memory_space<hbm>> -> memref<5120xi32, #tpu.memory_space<hbm>>
    %dma_wait3A_28 = tpu.memref_slice %arg3[%mul3A_4] : memref<327680xi32, #tpu.memory_space<hbm>> -> memref<5120xi32, #tpu.memory_space<hbm>>
    tpu.wait_dma2 semaphore(%arg12 : memref<!tpu.dma_semaphore, #tpu.memory_space<semaphore_mem>>) src(%dma_wait3A_28 : memref<5120xi32, #tpu.memory_space<hbm>>) dst(%arg8 : memref<5120xi32, #tpu.memory_space<vmem>>)
    %dma_wait3A_29 = tpu.memref_slice %arg4[%mul3A_4] : memref<327680xi32, #tpu.memory_space<hbm>> -> memref<5120xi32, #tpu.memory_space<hbm>>
    %dma_wait3A_30 = tpu.memref_slice %arg4[%mul3A_4] : memref<327680xi32, #tpu.memory_space<hbm>> -> memref<5120xi32, #tpu.memory_space<hbm>>
    tpu.wait_dma2 semaphore(%arg12 : memref<!tpu.dma_semaphore, #tpu.memory_space<semaphore_mem>>) src(%dma_wait3A_30 : memref<5120xi32, #tpu.memory_space<hbm>>) dst(%arg9 : memref<5120xi32, #tpu.memory_space<vmem>>)
    %barrier3A = arith.constant 0 : index
    tpu.barrier barrier_id(%barrier3A)
    %multiple_of3A = arith.constant 0 : i32
    %multiple_of3A_31 = tpu.assume_multiple %multiple_of3A, 128 : i32
    %dma_start3A_32 = tpu.memref_slice %arg8[%multiple_of3A_31] : memref<5120xi32, #tpu.memory_space<vmem>> -> memref<128xi32, #tpu.memory_space<vmem>>
    %dma_start3A_33 = arith.constant 0 : i32
    %dma_start3A_34 = arith.constant 0 : i32
    %dma_start3A_35 = tpu.memref_slice %arg2[%dma_start3A_33, %dma_start3A_34] : memref<10000x128xf32, #tpu.memory_space<hbm>> -> memref<10000x128xf32, #tpu.memory_space<hbm>>
    tpu.enqueue_indirect_dma source(%dma_start3A_35 : memref<10000x128xf32, #tpu.memory_space<hbm>>) target(%arg10 : memref<128x128xf32, #tpu.memory_space<vmem>>) offsets(%dma_start3A_32 : memref<128xi32, #tpu.memory_space<vmem>>) semaphore(%arg13 : memref<!tpu.dma_semaphore, #tpu.memory_space<semaphore_mem>>)
    %scan3A_36 = arith.constant 0 : i32
    %scan3A_37 = arith.constant 0 : i32
    %scan3A_38 = arith.constant 20 : i32
    %scan3A_39 = arith.addi %scan3A_37, %scan3A_38 : i32
    %scan3A_40 = arith.constant 2 : i32
    scf.for %scan3A_93 = %scan3A_37 to %scan3A_39 step %scan3A_40  : i32 {
      %mul3A_94 = arith.constant 2 : i32
      %mul3A_95 = arith.muli %scan3A_93, %mul3A_94 : i32
      %add3A_96 = arith.constant 1 : i32
      %add3A_97 = arith.addi %mul3A_95, %add3A_96 : i32
      %mul3A_98 = arith.constant 128 : i32
      %mul3A_99 = arith.muli %mul3A_95, %mul3A_98 : i32
      %multiple_of3A_100 = tpu.assume_multiple %mul3A_99, 128 : i32
      %dma_wait3A_101 = tpu.memref_slice %arg8[%multiple_of3A_100] : memref<5120xi32, #tpu.memory_space<vmem>> -> memref<128xi32, #tpu.memory_space<vmem>>
      %dma_wait3A_102 = arith.constant 0 : i32
      %dma_wait3A_103 = arith.constant 0 : i32
      %dma_wait3A_104 = tpu.memref_slice %arg2[%dma_wait3A_102, %dma_wait3A_103] : memref<10000x128xf32, #tpu.memory_space<hbm>> -> memref<10000x128xf32, #tpu.memory_space<hbm>>
      tpu.wait_indirect_dma semaphore(%arg13 : memref<!tpu.dma_semaphore, #tpu.memory_space<semaphore_mem>>) src(%dma_wait3A_104 : memref<10000x128xf32, #tpu.memory_space<hbm>>) dst(%arg10 : memref<128x128xf32, #tpu.memory_space<vmem>>)
      %mul3A_105 = arith.constant 128 : i32
      %mul3A_106 = arith.muli %mul3A_95, %mul3A_105 : i32
      %multiple_of3A_107 = tpu.assume_multiple %mul3A_106, 128 : i32
      %dma_start3A_108 = tpu.memref_slice %arg9[%multiple_of3A_107] : memref<5120xi32, #tpu.memory_space<vmem>> -> memref<128xi32, #tpu.memory_space<vmem>>
      %dma_start3A_109 = arith.constant 0 : i32
      %dma_start3A_110 = arith.constant 0 : i32
      %dma_start3A_111 = tpu.memref_slice %arg7[%dma_start3A_109, %dma_start3A_110] : memref<10032x128xf32, #tpu.memory_space<vmem_shared>> -> memref<10032x128xf32, #tpu.memory_space<vmem_shared>>
      tpu.enqueue_indirect_dma source(%arg10 : memref<128x128xf32, #tpu.memory_space<vmem>>) target(%dma_start3A_111 : memref<10032x128xf32, #tpu.memory_space<vmem_shared>>) offsets(%dma_start3A_108 : memref<128xi32, #tpu.memory_space<vmem>>) semaphore(%arg15 : memref<!tpu.dma_semaphore, #tpu.memory_space<semaphore_mem>>) {add = true}
      %gt3A = arith.constant 0 : i32
      %gt3A_112 = arith.cmpi sgt, %scan3A_93, %gt3A : i32
      %convert_element_type3A_113 = arith.extui %gt3A_112 : i1 to i32
      %cond3A_114 = arith.constant 0 : i32
      %cond3A_115 = arith.cmpi ne, %convert_element_type3A_113, %cond3A_114 : i32
      scf.if %cond3A_115 {
        %sub3A = arith.constant 2 : i32
        %sub3A_196 = arith.subi %add3A_97, %sub3A : i32
        %mul3A_197 = arith.constant 128 : i32
        %mul3A_198 = arith.muli %sub3A_196, %mul3A_197 : i32
        %multiple_of3A_199 = tpu.assume_multiple %mul3A_198, 128 : i32
        %dma_wait3A_200 = tpu.memref_slice %arg9[%multiple_of3A_199] : memref<5120xi32, #tpu.memory_space<vmem>> -> memref<128xi32, #tpu.memory_space<vmem>>
        %dma_wait3A_201 = arith.constant 0 : i32
        %dma_wait3A_202 = arith.constant 0 : i32
        %dma_wait3A_203 = tpu.memref_slice %arg7[%dma_wait3A_201, %dma_wait3A_202] : memref<10032x128xf32, #tpu.memory_space<vmem_shared>> -> memref<10032x128xf32, #tpu.memory_space<vmem_shared>>
        tpu.wait_indirect_dma semaphore(%arg16 : memref<!tpu.dma_semaphore, #tpu.memory_space<semaphore_mem>>) src(%arg11 : memref<128x128xf32, #tpu.memory_space<vmem>>) dst(%dma_wait3A_203 : memref<10032x128xf32, #tpu.memory_space<vmem_shared>>)
      } else {
      }
      %mul3A_116 = arith.constant 128 : i32
      %mul3A_117 = arith.muli %add3A_97, %mul3A_116 : i32
      %multiple_of3A_118 = tpu.assume_multiple %mul3A_117, 128 : i32
      %dma_start3A_119 = tpu.memref_slice %arg8[%multiple_of3A_118] : memref<5120xi32, #tpu.memory_space<vmem>> -> memref<128xi32, #tpu.memory_space<vmem>>
      %dma_start3A_120 = arith.constant 0 : i32
      %dma_start3A_121 = arith.constant 0 : i32
      %dma_start3A_122 = tpu.memref_slice %arg2[%dma_start3A_120, %dma_start3A_121] : memref<10000x128xf32, #tpu.memory_space<hbm>> -> memref<10000x128xf32, #tpu.memory_space<hbm>>
      tpu.enqueue_indirect_dma source(%dma_start3A_122 : memref<10000x128xf32, #tpu.memory_space<hbm>>) target(%arg11 : memref<128x128xf32, #tpu.memory_space<vmem>>) offsets(%dma_start3A_119 : memref<128xi32, #tpu.memory_space<vmem>>) semaphore(%arg14 : memref<!tpu.dma_semaphore, #tpu.memory_space<semaphore_mem>>)
      %mul3A_123 = arith.constant 128 : i32
      %mul3A_124 = arith.muli %add3A_97, %mul3A_123 : i32
      %multiple_of3A_125 = tpu.assume_multiple %mul3A_124, 128 : i32
      %dma_wait3A_126 = tpu.memref_slice %arg8[%multiple_of3A_125] : memref<5120xi32, #tpu.memory_space<vmem>> -> memref<128xi32, #tpu.memory_space<vmem>>
      %dma_wait3A_127 = arith.constant 0 : i32
      %dma_wait3A_128 = arith.constant 0 : i32
      %dma_wait3A_129 = tpu.memref_slice %arg2[%dma_wait3A_127, %dma_wait3A_128] : memref<10000x128xf32, #tpu.memory_space<hbm>> -> memref<10000x128xf32, #tpu.memory_space<hbm>>
      tpu.wait_indirect_dma semaphore(%arg14 : memref<!tpu.dma_semaphore, #tpu.memory_space<semaphore_mem>>) src(%dma_wait3A_129 : memref<10000x128xf32, #tpu.memory_space<hbm>>) dst(%arg11 : memref<128x128xf32, #tpu.memory_space<vmem>>)
      %mul3A_130 = arith.constant 128 : i32
      %mul3A_131 = arith.muli %add3A_97, %mul3A_130 : i32
      %multiple_of3A_132 = tpu.assume_multiple %mul3A_131, 128 : i32
      %dma_start3A_133 = tpu.memref_slice %arg9[%multiple_of3A_132] : memref<5120xi32, #tpu.memory_space<vmem>> -> memref<128xi32, #tpu.memory_space<vmem>>
      %dma_start3A_134 = arith.constant 0 : i32
      %dma_start3A_135 = arith.constant 0 : i32
      %dma_start3A_136 = tpu.memref_slice %arg7[%dma_start3A_134, %dma_start3A_135] : memref<10032x128xf32, #tpu.memory_space<vmem_shared>> -> memref<10032x128xf32, #tpu.memory_space<vmem_shared>>
      tpu.enqueue_indirect_dma source(%arg11 : memref<128x128xf32, #tpu.memory_space<vmem>>) target(%dma_start3A_136 : memref<10032x128xf32, #tpu.memory_space<vmem_shared>>) offsets(%dma_start3A_133 : memref<128xi32, #tpu.memory_space<vmem>>) semaphore(%arg16 : memref<!tpu.dma_semaphore, #tpu.memory_space<semaphore_mem>>) {add = true}
      %add3A_137 = arith.constant 2 : i32
      %add3A_138 = arith.addi %mul3A_95, %add3A_137 : i32
      %lt3A = arith.constant 40 : i32
      %lt3A_139 = arith.cmpi slt, %add3A_138, %lt3A : i32
      %convert_element_type3A_140 = arith.extui %lt3A_139 : i1 to i32
      %cond3A_141 = arith.constant 0 : i32
      %cond3A_142 = arith.cmpi ne, %convert_element_type3A_140, %cond3A_141 : i32
      scf.if %cond3A_142 {
        %mul3A_196 = arith.constant 128 : i32
        %mul3A_197 = arith.muli %mul3A_95, %mul3A_196 : i32
        %multiple_of3A_198 = tpu.assume_multiple %mul3A_197, 128 : i32
        %dma_wait3A_199 = tpu.memref_slice %arg9[%multiple_of3A_198] : memref<5120xi32, #tpu.memory_space<vmem>> -> memref<128xi32, #tpu.memory_space<vmem>>
        %dma_wait3A_200 = arith.constant 0 : i32
        %dma_wait3A_201 = arith.constant 0 : i32
        %dma_wait3A_202 = tpu.memref_slice %arg7[%dma_wait3A_200, %dma_wait3A_201] : memref<10032x128xf32, #tpu.memory_space<vmem_shared>> -> memref<10032x128xf32, #tpu.memory_space<vmem_shared>>
        tpu.wait_indirect_dma semaphore(%arg15 : memref<!tpu.dma_semaphore, #tpu.memory_space<semaphore_mem>>) src(%arg10 : memref<128x128xf32, #tpu.memory_space<vmem>>) dst(%dma_wait3A_202 : memref<10032x128xf32, #tpu.memory_space<vmem_shared>>)
        %add3A_203 = arith.constant 2 : i32
        %add3A_204 = arith.addi %mul3A_95, %add3A_203 : i32
        %mul3A_205 = arith.constant 128 : i32
        %mul3A_206 = arith.muli %add3A_204, %mul3A_205 : i32
        %multiple_of3A_207 = tpu.assume_multiple %mul3A_206, 128 : i32
        %dma_start3A_208 = tpu.memref_slice %arg8[%multiple_of3A_207] : memref<5120xi32, #tpu.memory_space<vmem>> -> memref<128xi32, #tpu.memory_space<vmem>>
        %dma_start3A_209 = arith.constant 0 : i32
        %dma_start3A_210 = arith.constant 0 : i32
        %dma_start3A_211 = tpu.memref_slice %arg2[%dma_start3A_209, %dma_start3A_210] : memref<10000x128xf32, #tpu.memory_space<hbm>> -> memref<10000x128xf32, #tpu.memory_space<hbm>>
        tpu.enqueue_indirect_dma source(%dma_start3A_211 : memref<10000x128xf32, #tpu.memory_space<hbm>>) target(%arg10 : memref<128x128xf32, #tpu.memory_space<vmem>>) offsets(%dma_start3A_208 : memref<128xi32, #tpu.memory_space<vmem>>) semaphore(%arg13 : memref<!tpu.dma_semaphore, #tpu.memory_space<semaphore_mem>>)
      } else {
      }
      %scan3A_143 = arith.constant 1 : i32
      %scan3A_144 = arith.addi %scan3A_93, %scan3A_143 : i32
      %mul3A_145 = arith.constant 2 : i32
      %mul3A_146 = arith.muli %scan3A_144, %mul3A_145 : i32
      %add3A_147 = arith.constant 1 : i32
      %add3A_148 = arith.addi %mul3A_146, %add3A_147 : i32
      %mul3A_149 = arith.constant 128 : i32
      %mul3A_150 = arith.muli %mul3A_146, %mul3A_149 : i32
      %multiple_of3A_151 = tpu.assume_multiple %mul3A_150, 128 : i32
      %dma_wait3A_152 = tpu.memref_slice %arg8[%multiple_of3A_151] : memref<5120xi32, #tpu.memory_space<vmem>> -> memref<128xi32, #tpu.memory_space<vmem>>
      %dma_wait3A_153 = arith.constant 0 : i32
      %dma_wait3A_154 = arith.constant 0 : i32
      %dma_wait3A_155 = tpu.memref_slice %arg2[%dma_wait3A_153, %dma_wait3A_154] : memref<10000x128xf32, #tpu.memory_space<hbm>> -> memref<10000x128xf32, #tpu.memory_space<hbm>>
      tpu.wait_indirect_dma semaphore(%arg13 : memref<!tpu.dma_semaphore, #tpu.memory_space<semaphore_mem>>) src(%dma_wait3A_155 : memref<10000x128xf32, #tpu.memory_space<hbm>>) dst(%arg10 : memref<128x128xf32, #tpu.memory_space<vmem>>)
      %mul3A_156 = arith.constant 128 : i32
      %mul3A_157 = arith.muli %mul3A_146, %mul3A_156 : i32
      %multiple_of3A_158 = tpu.assume_multiple %mul3A_157, 128 : i32
      %dma_start3A_159 = tpu.memref_slice %arg9[%multiple_of3A_158] : memref<5120xi32, #tpu.memory_space<vmem>> -> memref<128xi32, #tpu.memory_space<vmem>>
      %dma_start3A_160 = arith.constant 0 : i32
      %dma_start3A_161 = arith.constant 0 : i32
      %dma_start3A_162 = tpu.memref_slice %arg7[%dma_start3A_160, %dma_start3A_161] : memref<10032x128xf32, #tpu.memory_space<vmem_shared>> -> memref<10032x128xf32, #tpu.memory_space<vmem_shared>>
      tpu.enqueue_indirect_dma source(%arg10 : memref<128x128xf32, #tpu.memory_space<vmem>>) target(%dma_start3A_162 : memref<10032x128xf32, #tpu.memory_space<vmem_shared>>) offsets(%dma_start3A_159 : memref<128xi32, #tpu.memory_space<vmem>>) semaphore(%arg15 : memref<!tpu.dma_semaphore, #tpu.memory_space<semaphore_mem>>) {add = true}
      %gt3A_163 = arith.constant 0 : i32
      %gt3A_164 = arith.cmpi sgt, %scan3A_144, %gt3A_163 : i32
      %convert_element_type3A_165 = arith.extui %gt3A_164 : i1 to i32
      %cond3A_166 = arith.constant 0 : i32
      %cond3A_167 = arith.cmpi ne, %convert_element_type3A_165, %cond3A_166 : i32
      scf.if %cond3A_167 {
        %sub3A = arith.constant 2 : i32
        %sub3A_196 = arith.subi %add3A_148, %sub3A : i32
        %mul3A_197 = arith.constant 128 : i32
        %mul3A_198 = arith.muli %sub3A_196, %mul3A_197 : i32
        %multiple_of3A_199 = tpu.assume_multiple %mul3A_198, 128 : i32
        %dma_wait3A_200 = tpu.memref_slice %arg9[%multiple_of3A_199] : memref<5120xi32, #tpu.memory_space<vmem>> -> memref<128xi32, #tpu.memory_space<vmem>>
        %dma_wait3A_201 = arith.constant 0 : i32
        %dma_wait3A_202 = arith.constant 0 : i32
        %dma_wait3A_203 = tpu.memref_slice %arg7[%dma_wait3A_201, %dma_wait3A_202] : memref<10032x128xf32, #tpu.memory_space<vmem_shared>> -> memref<10032x128xf32, #tpu.memory_space<vmem_shared>>
        tpu.wait_indirect_dma semaphore(%arg16 : memref<!tpu.dma_semaphore, #tpu.memory_space<semaphore_mem>>) src(%arg11 : memref<128x128xf32, #tpu.memory_space<vmem>>) dst(%dma_wait3A_203 : memref<10032x128xf32, #tpu.memory_space<vmem_shared>>)
      } else {
      }
      %mul3A_168 = arith.constant 128 : i32
      %mul3A_169 = arith.muli %add3A_148, %mul3A_168 : i32
      %multiple_of3A_170 = tpu.assume_multiple %mul3A_169, 128 : i32
      %dma_start3A_171 = tpu.memref_slice %arg8[%multiple_of3A_170] : memref<5120xi32, #tpu.memory_space<vmem>> -> memref<128xi32, #tpu.memory_space<vmem>>
      %dma_start3A_172 = arith.constant 0 : i32
      %dma_start3A_173 = arith.constant 0 : i32
      %dma_start3A_174 = tpu.memref_slice %arg2[%dma_start3A_172, %dma_start3A_173] : memref<10000x128xf32, #tpu.memory_space<hbm>> -> memref<10000x128xf32, #tpu.memory_space<hbm>>
      tpu.enqueue_indirect_dma source(%dma_start3A_174 : memref<10000x128xf32, #tpu.memory_space<hbm>>) target(%arg11 : memref<128x128xf32, #tpu.memory_space<vmem>>) offsets(%dma_start3A_171 : memref<128xi32, #tpu.memory_space<vmem>>) semaphore(%arg14 : memref<!tpu.dma_semaphore, #tpu.memory_space<semaphore_mem>>)
      %mul3A_175 = arith.constant 128 : i32
      %mul3A_176 = arith.muli %add3A_148, %mul3A_175 : i32
      %multiple_of3A_177 = tpu.assume_multiple %mul3A_176, 128 : i32
      %dma_wait3A_178 = tpu.memref_slice %arg8[%multiple_of3A_177] : memref<5120xi32, #tpu.memory_space<vmem>> -> memref<128xi32, #tpu.memory_space<vmem>>
      %dma_wait3A_179 = arith.constant 0 : i32
      %dma_wait3A_180 = arith.constant 0 : i32
      %dma_wait3A_181 = tpu.memref_slice %arg2[%dma_wait3A_179, %dma_wait3A_180] : memref<10000x128xf32, #tpu.memory_space<hbm>> -> memref<10000x128xf32, #tpu.memory_space<hbm>>
      tpu.wait_indirect_dma semaphore(%arg14 : memref<!tpu.dma_semaphore, #tpu.memory_space<semaphore_mem>>) src(%dma_wait3A_181 : memref<10000x128xf32, #tpu.memory_space<hbm>>) dst(%arg11 : memref<128x128xf32, #tpu.memory_space<vmem>>)
      %mul3A_182 = arith.constant 128 : i32
      %mul3A_183 = arith.muli %add3A_148, %mul3A_182 : i32
      %multiple_of3A_184 = tpu.assume_multiple %mul3A_183, 128 : i32
      %dma_start3A_185 = tpu.memref_slice %arg9[%multiple_of3A_184] : memref<5120xi32, #tpu.memory_space<vmem>> -> memref<128xi32, #tpu.memory_space<vmem>>
      %dma_start3A_186 = arith.constant 0 : i32
      %dma_start3A_187 = arith.constant 0 : i32
      %dma_start3A_188 = tpu.memref_slice %arg7[%dma_start3A_186, %dma_start3A_187] : memref<10032x128xf32, #tpu.memory_space<vmem_shared>> -> memref<10032x128xf32, #tpu.memory_space<vmem_shared>>
      tpu.enqueue_indirect_dma source(%arg11 : memref<128x128xf32, #tpu.memory_space<vmem>>) target(%dma_start3A_188 : memref<10032x128xf32, #tpu.memory_space<vmem_shared>>) offsets(%dma_start3A_185 : memref<128xi32, #tpu.memory_space<vmem>>) semaphore(%arg16 : memref<!tpu.dma_semaphore, #tpu.memory_space<semaphore_mem>>) {add = true}
      %add3A_189 = arith.constant 2 : i32
      %add3A_190 = arith.addi %mul3A_146, %add3A_189 : i32
      %lt3A_191 = arith.constant 40 : i32
      %lt3A_192 = arith.cmpi slt, %add3A_190, %lt3A_191 : i32
      %convert_element_type3A_193 = arith.extui %lt3A_192 : i1 to i32
      %cond3A_194 = arith.constant 0 : i32
      %cond3A_195 = arith.cmpi ne, %convert_element_type3A_193, %cond3A_194 : i32
      scf.if %cond3A_195 {
        %mul3A_196 = arith.constant 128 : i32
        %mul3A_197 = arith.muli %mul3A_146, %mul3A_196 : i32
        %multiple_of3A_198 = tpu.assume_multiple %mul3A_197, 128 : i32
        %dma_wait3A_199 = tpu.memref_slice %arg9[%multiple_of3A_198] : memref<5120xi32, #tpu.memory_space<vmem>> -> memref<128xi32, #tpu.memory_space<vmem>>
        %dma_wait3A_200 = arith.constant 0 : i32
        %dma_wait3A_201 = arith.constant 0 : i32
        %dma_wait3A_202 = tpu.memref_slice %arg7[%dma_wait3A_200, %dma_wait3A_201] : memref<10032x128xf32, #tpu.memory_space<vmem_shared>> -> memref<10032x128xf32, #tpu.memory_space<vmem_shared>>
        tpu.wait_indirect_dma semaphore(%arg15 : memref<!tpu.dma_semaphore, #tpu.memory_space<semaphore_mem>>) src(%arg10 : memref<128x128xf32, #tpu.memory_space<vmem>>) dst(%dma_wait3A_202 : memref<10032x128xf32, #tpu.memory_space<vmem_shared>>)
        %add3A_203 = arith.constant 2 : i32
        %add3A_204 = arith.addi %mul3A_146, %add3A_203 : i32
        %mul3A_205 = arith.constant 128 : i32
        %mul3A_206 = arith.muli %add3A_204, %mul3A_205 : i32
        %multiple_of3A_207 = tpu.assume_multiple %mul3A_206, 128 : i32
        %dma_start3A_208 = tpu.memref_slice %arg8[%multiple_of3A_207] : memref<5120xi32, #tpu.memory_space<vmem>> -> memref<128xi32, #tpu.memory_space<vmem>>
        %dma_start3A_209 = arith.constant 0 : i32
        %dma_start3A_210 = arith.constant 0 : i32
        %dma_start3A_211 = tpu.memref_slice %arg2[%dma_start3A_209, %dma_start3A_210] : memref<10000x128xf32, #tpu.memory_space<hbm>> -> memref<10000x128xf32, #tpu.memory_space<hbm>>
        tpu.enqueue_indirect_dma source(%dma_start3A_211 : memref<10000x128xf32, #tpu.memory_space<hbm>>) target(%arg10 : memref<128x128xf32, #tpu.memory_space<vmem>>) offsets(%dma_start3A_208 : memref<128xi32, #tpu.memory_space<vmem>>) semaphore(%arg13 : memref<!tpu.dma_semaphore, #tpu.memory_space<semaphore_mem>>)
      } else {
      }
    }
    %scan3A_41 = arith.constant 20 : i32
    %multiple_of3A_42 = arith.constant 4864 : i32
    %multiple_of3A_43 = tpu.assume_multiple %multiple_of3A_42, 128 : i32
    %dma_wait3A_44 = tpu.memref_slice %arg9[%multiple_of3A_43] : memref<5120xi32, #tpu.memory_space<vmem>> -> memref<128xi32, #tpu.memory_space<vmem>>
    %dma_wait3A_45 = arith.constant 0 : i32
    %dma_wait3A_46 = arith.constant 0 : i32
    %dma_wait3A_47 = tpu.memref_slice %arg7[%dma_wait3A_45, %dma_wait3A_46] : memref<10032x128xf32, #tpu.memory_space<vmem_shared>> -> memref<10032x128xf32, #tpu.memory_space<vmem_shared>>
    tpu.wait_indirect_dma semaphore(%arg15 : memref<!tpu.dma_semaphore, #tpu.memory_space<semaphore_mem>>) src(%arg10 : memref<128x128xf32, #tpu.memory_space<vmem>>) dst(%dma_wait3A_47 : memref<10032x128xf32, #tpu.memory_space<vmem_shared>>)
    %multiple_of3A_48 = arith.constant 4992 : i32
    %multiple_of3A_49 = tpu.assume_multiple %multiple_of3A_48, 128 : i32
    %dma_wait3A_50 = tpu.memref_slice %arg9[%multiple_of3A_49] : memref<5120xi32, #tpu.memory_space<vmem>> -> memref<128xi32, #tpu.memory_space<vmem>>
    %dma_wait3A_51 = arith.constant 0 : i32
    %dma_wait3A_52 = arith.constant 0 : i32
    %dma_wait3A_53 = tpu.memref_slice %arg7[%dma_wait3A_51, %dma_wait3A_52] : memref<10032x128xf32, #tpu.memory_space<vmem_shared>> -> memref<10032x128xf32, #tpu.memory_space<vmem_shared>>
    tpu.wait_indirect_dma semaphore(%arg16 : memref<!tpu.dma_semaphore, #tpu.memory_space<semaphore_mem>>) src(%arg11 : memref<128x128xf32, #tpu.memory_space<vmem>>) dst(%dma_wait3A_53 : memref<10032x128xf32, #tpu.memory_space<vmem_shared>>)
    %add3A_54 = arith.constant 5120 : i32
    %add3A_55 = arith.addi %mul3A_4, %add3A_54 : i32
    "tpu.region"() ({
      %run_scoped3A = tpu.sem_alloc : memref<!tpu.dma_semaphore, #tpu.memory_space<semaphore_mem>>
      %dma_start3A_93 = tpu.memref_slice %arg3[%add3A_55] : memref<327680xi32, #tpu.memory_space<hbm>> -> memref<5120xi32, #tpu.memory_space<hbm>>
      %dma_start3A_94 = tpu.memref_slice %arg3[%add3A_55] : memref<327680xi32, #tpu.memory_space<hbm>> -> memref<5120xi32, #tpu.memory_space<hbm>>
      tpu.enqueue_dma source(%dma_start3A_94 : memref<5120xi32, #tpu.memory_space<hbm>>) target(%arg8 : memref<5120xi32, #tpu.memory_space<vmem>>) target_semaphore(%run_scoped3A : memref<!tpu.dma_semaphore, #tpu.memory_space<semaphore_mem>>)
      %dma_wait3A_95 = tpu.memref_slice %arg3[%add3A_55] : memref<327680xi32, #tpu.memory_space<hbm>> -> memref<5120xi32, #tpu.memory_space<hbm>>
      %dma_wait3A_96 = tpu.memref_slice %arg3[%add3A_55] : memref<327680xi32, #tpu.memory_space<hbm>> -> memref<5120xi32, #tpu.memory_space<hbm>>
      tpu.wait_dma2 semaphore(%run_scoped3A : memref<!tpu.dma_semaphore, #tpu.memory_space<semaphore_mem>>) src(%dma_wait3A_96 : memref<5120xi32, #tpu.memory_space<hbm>>) dst(%arg8 : memref<5120xi32, #tpu.memory_space<vmem>>)
      tpu.yield
    }) : () -> ()
    %add3A_56 = arith.constant 5120 : i32
    %add3A_57 = arith.addi %mul3A_4, %add3A_56 : i32
    "tpu.region"() ({
      %run_scoped3A = tpu.sem_alloc : memref<!tpu.dma_semaphore, #tpu.memory_space<semaphore_mem>>
      %dma_start3A_93 = tpu.memref_slice %arg4[%add3A_57] : memref<327680xi32, #tpu.memory_space<hbm>> -> memref<5120xi32, #tpu.memory_space<hbm>>
      %dma_start3A_94 = tpu.memref_slice %arg4[%add3A_57] : memref<327680xi32, #tpu.memory_space<hbm>> -> memref<5120xi32, #tpu.memory_space<hbm>>
      tpu.enqueue_dma source(%dma_start3A_94 : memref<5120xi32, #tpu.memory_space<hbm>>) target(%arg9 : memref<5120xi32, #tpu.memory_space<vmem>>) target_semaphore(%run_scoped3A : memref<!tpu.dma_semaphore, #tpu.memory_space<semaphore_mem>>)
      %dma_wait3A_95 = tpu.memref_slice %arg4[%add3A_57] : memref<327680xi32, #tpu.memory_space<hbm>> -> memref<5120xi32, #tpu.memory_space<hbm>>
      %dma_wait3A_96 = tpu.memref_slice %arg4[%add3A_57] : memref<327680xi32, #tpu.memory_space<hbm>> -> memref<5120xi32, #tpu.memory_space<hbm>>
      tpu.wait_dma2 semaphore(%run_scoped3A : memref<!tpu.dma_semaphore, #tpu.memory_space<semaphore_mem>>) src(%dma_wait3A_96 : memref<5120xi32, #tpu.memory_space<hbm>>) dst(%arg9 : memref<5120xi32, #tpu.memory_space<vmem>>)
      tpu.yield
    }) : () -> ()
    %multiple_of3A_58 = arith.constant 0 : i32
    %multiple_of3A_59 = tpu.assume_multiple %multiple_of3A_58, 128 : i32
    %dma_start3A_60 = tpu.memref_slice %arg8[%multiple_of3A_59] : memref<5120xi32, #tpu.memory_space<vmem>> -> memref<128xi32, #tpu.memory_space<vmem>>
    %dma_start3A_61 = arith.constant 0 : i32
    %dma_start3A_62 = arith.constant 0 : i32
    %dma_start3A_63 = tpu.memref_slice %arg2[%dma_start3A_61, %dma_start3A_62] : memref<10000x128xf32, #tpu.memory_space<hbm>> -> memref<10000x128xf32, #tpu.memory_space<hbm>>
    tpu.enqueue_indirect_dma source(%dma_start3A_63 : memref<10000x128xf32, #tpu.memory_space<hbm>>) target(%arg10 : memref<128x128xf32, #tpu.memory_space<vmem>>) offsets(%dma_start3A_60 : memref<128xi32, #tpu.memory_space<vmem>>) semaphore(%arg13 : memref<!tpu.dma_semaphore, #tpu.memory_space<semaphore_mem>>)
    %scan3A_64 = arith.constant 0 : i32
    %scan3A_65 = arith.constant 0 : i32
    %scan3A_66 = arith.constant 20 : i32
    %scan3A_67 = arith.addi %scan3A_65, %scan3A_66 : i32
    %scan3A_68 = arith.constant 2 : i32
    scf.for %scan3A_93 = %scan3A_65 to %scan3A_67 step %scan3A_68  : i32 {
      %mul3A_94 = arith.constant 2 : i32
      %mul3A_95 = arith.muli %scan3A_93, %mul3A_94 : i32
      %add3A_96 = arith.constant 1 : i32
      %add3A_97 = arith.addi %mul3A_95, %add3A_96 : i32
      %mul3A_98 = arith.constant 128 : i32
      %mul3A_99 = arith.muli %mul3A_95, %mul3A_98 : i32
      %multiple_of3A_100 = tpu.assume_multiple %mul3A_99, 128 : i32
      %dma_wait3A_101 = tpu.memref_slice %arg8[%multiple_of3A_100] : memref<5120xi32, #tpu.memory_space<vmem>> -> memref<128xi32, #tpu.memory_space<vmem>>
      %dma_wait3A_102 = arith.constant 0 : i32
      %dma_wait3A_103 = arith.constant 0 : i32
      %dma_wait3A_104 = tpu.memref_slice %arg2[%dma_wait3A_102, %dma_wait3A_103] : memref<10000x128xf32, #tpu.memory_space<hbm>> -> memref<10000x128xf32, #tpu.memory_space<hbm>>
      tpu.wait_indirect_dma semaphore(%arg13 : memref<!tpu.dma_semaphore, #tpu.memory_space<semaphore_mem>>) src(%dma_wait3A_104 : memref<10000x128xf32, #tpu.memory_space<hbm>>) dst(%arg10 : memref<128x128xf32, #tpu.memory_space<vmem>>)
      %mul3A_105 = arith.constant 128 : i32
      %mul3A_106 = arith.muli %mul3A_95, %mul3A_105 : i32
      %multiple_of3A_107 = tpu.assume_multiple %mul3A_106, 128 : i32
      %dma_start3A_108 = tpu.memref_slice %arg9[%multiple_of3A_107] : memref<5120xi32, #tpu.memory_space<vmem>> -> memref<128xi32, #tpu.memory_space<vmem>>
      %dma_start3A_109 = arith.constant 0 : i32
      %dma_start3A_110 = arith.constant 0 : i32
      %dma_start3A_111 = tpu.memref_slice %arg7[%dma_start3A_109, %dma_start3A_110] : memref<10032x128xf32, #tpu.memory_space<vmem_shared>> -> memref<10032x128xf32, #tpu.memory_space<vmem_shared>>
      tpu.enqueue_indirect_dma source(%arg10 : memref<128x128xf32, #tpu.memory_space<vmem>>) target(%dma_start3A_111 : memref<10032x128xf32, #tpu.memory_space<vmem_shared>>) offsets(%dma_start3A_108 : memref<128xi32, #tpu.memory_space<vmem>>) semaphore(%arg15 : memref<!tpu.dma_semaphore, #tpu.memory_space<semaphore_mem>>) {add = true}
      %gt3A = arith.constant 0 : i32
      %gt3A_112 = arith.cmpi sgt, %scan3A_93, %gt3A : i32
      %convert_element_type3A_113 = arith.extui %gt3A_112 : i1 to i32
      %cond3A_114 = arith.constant 0 : i32
      %cond3A_115 = arith.cmpi ne, %convert_element_type3A_113, %cond3A_114 : i32
      scf.if %cond3A_115 {
        %sub3A = arith.constant 2 : i32
        %sub3A_196 = arith.subi %add3A_97, %sub3A : i32
        %mul3A_197 = arith.constant 128 : i32
        %mul3A_198 = arith.muli %sub3A_196, %mul3A_197 : i32
        %multiple_of3A_199 = tpu.assume_multiple %mul3A_198, 128 : i32
        %dma_wait3A_200 = tpu.memref_slice %arg9[%multiple_of3A_199] : memref<5120xi32, #tpu.memory_space<vmem>> -> memref<128xi32, #tpu.memory_space<vmem>>
        %dma_wait3A_201 = arith.constant 0 : i32
        %dma_wait3A_202 = arith.constant 0 : i32
        %dma_wait3A_203 = tpu.memref_slice %arg7[%dma_wait3A_201, %dma_wait3A_202] : memref<10032x128xf32, #tpu.memory_space<vmem_shared>> -> memref<10032x128xf32, #tpu.memory_space<vmem_shared>>
        tpu.wait_indirect_dma semaphore(%arg16 : memref<!tpu.dma_semaphore, #tpu.memory_space<semaphore_mem>>) src(%arg11 : memref<128x128xf32, #tpu.memory_space<vmem>>) dst(%dma_wait3A_203 : memref<10032x128xf32, #tpu.memory_space<vmem_shared>>)
      } else {
      }
      %mul3A_116 = arith.constant 128 : i32
      %mul3A_117 = arith.muli %add3A_97, %mul3A_116 : i32
      %multiple_of3A_118 = tpu.assume_multiple %mul3A_117, 128 : i32
      %dma_start3A_119 = tpu.memref_slice %arg8[%multiple_of3A_118] : memref<5120xi32, #tpu.memory_space<vmem>> -> memref<128xi32, #tpu.memory_space<vmem>>
      %dma_start3A_120 = arith.constant 0 : i32
      %dma_start3A_121 = arith.constant 0 : i32
      %dma_start3A_122 = tpu.memref_slice %arg2[%dma_start3A_120, %dma_start3A_121] : memref<10000x128xf32, #tpu.memory_space<hbm>> -> memref<10000x128xf32, #tpu.memory_space<hbm>>
      tpu.enqueue_indirect_dma source(%dma_start3A_122 : memref<10000x128xf32, #tpu.memory_space<hbm>>) target(%arg11 : memref<128x128xf32, #tpu.memory_space<vmem>>) offsets(%dma_start3A_119 : memref<128xi32, #tpu.memory_space<vmem>>) semaphore(%arg14 : memref<!tpu.dma_semaphore, #tpu.memory_space<semaphore_mem>>)
      %mul3A_123 = arith.constant 128 : i32
      %mul3A_124 = arith.muli %add3A_97, %mul3A_123 : i32
      %multiple_of3A_125 = tpu.assume_multiple %mul3A_124, 128 : i32
      %dma_wait3A_126 = tpu.memref_slice %arg8[%multiple_of3A_125] : memref<5120xi32, #tpu.memory_space<vmem>> -> memref<128xi32, #tpu.memory_space<vmem>>
      %dma_wait3A_127 = arith.constant 0 : i32
      %dma_wait3A_128 = arith.constant 0 : i32
      %dma_wait3A_129 = tpu.memref_slice %arg2[%dma_wait3A_127, %dma_wait3A_128] : memref<10000x128xf32, #tpu.memory_space<hbm>> -> memref<10000x128xf32, #tpu.memory_space<hbm>>
      tpu.wait_indirect_dma semaphore(%arg14 : memref<!tpu.dma_semaphore, #tpu.memory_space<semaphore_mem>>) src(%dma_wait3A_129 : memref<10000x128xf32, #tpu.memory_space<hbm>>) dst(%arg11 : memref<128x128xf32, #tpu.memory_space<vmem>>)
      %mul3A_130 = arith.constant 128 : i32
      %mul3A_131 = arith.muli %add3A_97, %mul3A_130 : i32
      %multiple_of3A_132 = tpu.assume_multiple %mul3A_131, 128 : i32
      %dma_start3A_133 = tpu.memref_slice %arg9[%multiple_of3A_132] : memref<5120xi32, #tpu.memory_space<vmem>> -> memref<128xi32, #tpu.memory_space<vmem>>
      %dma_start3A_134 = arith.constant 0 : i32
      %dma_start3A_135 = arith.constant 0 : i32
      %dma_start3A_136 = tpu.memref_slice %arg7[%dma_start3A_134, %dma_start3A_135] : memref<10032x128xf32, #tpu.memory_space<vmem_shared>> -> memref<10032x128xf32, #tpu.memory_space<vmem_shared>>
      tpu.enqueue_indirect_dma source(%arg11 : memref<128x128xf32, #tpu.memory_space<vmem>>) target(%dma_start3A_136 : memref<10032x128xf32, #tpu.memory_space<vmem_shared>>) offsets(%dma_start3A_133 : memref<128xi32, #tpu.memory_space<vmem>>) semaphore(%arg16 : memref<!tpu.dma_semaphore, #tpu.memory_space<semaphore_mem>>) {add = true}
      %add3A_137 = arith.constant 2 : i32
      %add3A_138 = arith.addi %mul3A_95, %add3A_137 : i32
      %lt3A = arith.constant 40 : i32
      %lt3A_139 = arith.cmpi slt, %add3A_138, %lt3A : i32
      %convert_element_type3A_140 = arith.extui %lt3A_139 : i1 to i32
      %cond3A_141 = arith.constant 0 : i32
      %cond3A_142 = arith.cmpi ne, %convert_element_type3A_140, %cond3A_141 : i32
      scf.if %cond3A_142 {
        %mul3A_196 = arith.constant 128 : i32
        %mul3A_197 = arith.muli %mul3A_95, %mul3A_196 : i32
        %multiple_of3A_198 = tpu.assume_multiple %mul3A_197, 128 : i32
        %dma_wait3A_199 = tpu.memref_slice %arg9[%multiple_of3A_198] : memref<5120xi32, #tpu.memory_space<vmem>> -> memref<128xi32, #tpu.memory_space<vmem>>
        %dma_wait3A_200 = arith.constant 0 : i32
        %dma_wait3A_201 = arith.constant 0 : i32
        %dma_wait3A_202 = tpu.memref_slice %arg7[%dma_wait3A_200, %dma_wait3A_201] : memref<10032x128xf32, #tpu.memory_space<vmem_shared>> -> memref<10032x128xf32, #tpu.memory_space<vmem_shared>>
        tpu.wait_indirect_dma semaphore(%arg15 : memref<!tpu.dma_semaphore, #tpu.memory_space<semaphore_mem>>) src(%arg10 : memref<128x128xf32, #tpu.memory_space<vmem>>) dst(%dma_wait3A_202 : memref<10032x128xf32, #tpu.memory_space<vmem_shared>>)
        %add3A_203 = arith.constant 2 : i32
        %add3A_204 = arith.addi %mul3A_95, %add3A_203 : i32
        %mul3A_205 = arith.constant 128 : i32
        %mul3A_206 = arith.muli %add3A_204, %mul3A_205 : i32
        %multiple_of3A_207 = tpu.assume_multiple %mul3A_206, 128 : i32
        %dma_start3A_208 = tpu.memref_slice %arg8[%multiple_of3A_207] : memref<5120xi32, #tpu.memory_space<vmem>> -> memref<128xi32, #tpu.memory_space<vmem>>
        %dma_start3A_209 = arith.constant 0 : i32
        %dma_start3A_210 = arith.constant 0 : i32
        %dma_start3A_211 = tpu.memref_slice %arg2[%dma_start3A_209, %dma_start3A_210] : memref<10000x128xf32, #tpu.memory_space<hbm>> -> memref<10000x128xf32, #tpu.memory_space<hbm>>
        tpu.enqueue_indirect_dma source(%dma_start3A_211 : memref<10000x128xf32, #tpu.memory_space<hbm>>) target(%arg10 : memref<128x128xf32, #tpu.memory_space<vmem>>) offsets(%dma_start3A_208 : memref<128xi32, #tpu.memory_space<vmem>>) semaphore(%arg13 : memref<!tpu.dma_semaphore, #tpu.memory_space<semaphore_mem>>)
      } else {
      }
      %scan3A_143 = arith.constant 1 : i32
      %scan3A_144 = arith.addi %scan3A_93, %scan3A_143 : i32
      %mul3A_145 = arith.constant 2 : i32
      %mul3A_146 = arith.muli %scan3A_144, %mul3A_145 : i32
      %add3A_147 = arith.constant 1 : i32
      %add3A_148 = arith.addi %mul3A_146, %add3A_147 : i32
      %mul3A_149 = arith.constant 128 : i32
      %mul3A_150 = arith.muli %mul3A_146, %mul3A_149 : i32
      %multiple_of3A_151 = tpu.assume_multiple %mul3A_150, 128 : i32
      %dma_wait3A_152 = tpu.memref_slice %arg8[%multiple_of3A_151] : memref<5120xi32, #tpu.memory_space<vmem>> -> memref<128xi32, #tpu.memory_space<vmem>>
      %dma_wait3A_153 = arith.constant 0 : i32
      %dma_wait3A_154 = arith.constant 0 : i32
      %dma_wait3A_155 = tpu.memref_slice %arg2[%dma_wait3A_153, %dma_wait3A_154] : memref<10000x128xf32, #tpu.memory_space<hbm>> -> memref<10000x128xf32, #tpu.memory_space<hbm>>
      tpu.wait_indirect_dma semaphore(%arg13 : memref<!tpu.dma_semaphore, #tpu.memory_space<semaphore_mem>>) src(%dma_wait3A_155 : memref<10000x128xf32, #tpu.memory_space<hbm>>) dst(%arg10 : memref<128x128xf32, #tpu.memory_space<vmem>>)
      %mul3A_156 = arith.constant 128 : i32
      %mul3A_157 = arith.muli %mul3A_146, %mul3A_156 : i32
      %multiple_of3A_158 = tpu.assume_multiple %mul3A_157, 128 : i32
      %dma_start3A_159 = tpu.memref_slice %arg9[%multiple_of3A_158] : memref<5120xi32, #tpu.memory_space<vmem>> -> memref<128xi32, #tpu.memory_space<vmem>>
      %dma_start3A_160 = arith.constant 0 : i32
      %dma_start3A_161 = arith.constant 0 : i32
      %dma_start3A_162 = tpu.memref_slice %arg7[%dma_start3A_160, %dma_start3A_161] : memref<10032x128xf32, #tpu.memory_space<vmem_shared>> -> memref<10032x128xf32, #tpu.memory_space<vmem_shared>>
      tpu.enqueue_indirect_dma source(%arg10 : memref<128x128xf32, #tpu.memory_space<vmem>>) target(%dma_start3A_162 : memref<10032x128xf32, #tpu.memory_space<vmem_shared>>) offsets(%dma_start3A_159 : memref<128xi32, #tpu.memory_space<vmem>>) semaphore(%arg15 : memref<!tpu.dma_semaphore, #tpu.memory_space<semaphore_mem>>) {add = true}
      %gt3A_163 = arith.constant 0 : i32
      %gt3A_164 = arith.cmpi sgt, %scan3A_144, %gt3A_163 : i32
      %convert_element_type3A_165 = arith.extui %gt3A_164 : i1 to i32
      %cond3A_166 = arith.constant 0 : i32
      %cond3A_167 = arith.cmpi ne, %convert_element_type3A_165, %cond3A_166 : i32
      scf.if %cond3A_167 {
        %sub3A = arith.constant 2 : i32
        %sub3A_196 = arith.subi %add3A_148, %sub3A : i32
        %mul3A_197 = arith.constant 128 : i32
        %mul3A_198 = arith.muli %sub3A_196, %mul3A_197 : i32
        %multiple_of3A_199 = tpu.assume_multiple %mul3A_198, 128 : i32
        %dma_wait3A_200 = tpu.memref_slice %arg9[%multiple_of3A_199] : memref<5120xi32, #tpu.memory_space<vmem>> -> memref<128xi32, #tpu.memory_space<vmem>>
        %dma_wait3A_201 = arith.constant 0 : i32
        %dma_wait3A_202 = arith.constant 0 : i32
        %dma_wait3A_203 = tpu.memref_slice %arg7[%dma_wait3A_201, %dma_wait3A_202] : memref<10032x128xf32, #tpu.memory_space<vmem_shared>> -> memref<10032x128xf32, #tpu.memory_space<vmem_shared>>
        tpu.wait_indirect_dma semaphore(%arg16 : memref<!tpu.dma_semaphore, #tpu.memory_space<semaphore_mem>>) src(%arg11 : memref<128x128xf32, #tpu.memory_space<vmem>>) dst(%dma_wait3A_203 : memref<10032x128xf32, #tpu.memory_space<vmem_shared>>)
      } else {
      }
      %mul3A_168 = arith.constant 128 : i32
      %mul3A_169 = arith.muli %add3A_148, %mul3A_168 : i32
      %multiple_of3A_170 = tpu.assume_multiple %mul3A_169, 128 : i32
      %dma_start3A_171 = tpu.memref_slice %arg8[%multiple_of3A_170] : memref<5120xi32, #tpu.memory_space<vmem>> -> memref<128xi32, #tpu.memory_space<vmem>>
      %dma_start3A_172 = arith.constant 0 : i32
      %dma_start3A_173 = arith.constant 0 : i32
      %dma_start3A_174 = tpu.memref_slice %arg2[%dma_start3A_172, %dma_start3A_173] : memref<10000x128xf32, #tpu.memory_space<hbm>> -> memref<10000x128xf32, #tpu.memory_space<hbm>>
      tpu.enqueue_indirect_dma source(%dma_start3A_174 : memref<10000x128xf32, #tpu.memory_space<hbm>>) target(%arg11 : memref<128x128xf32, #tpu.memory_space<vmem>>) offsets(%dma_start3A_171 : memref<128xi32, #tpu.memory_space<vmem>>) semaphore(%arg14 : memref<!tpu.dma_semaphore, #tpu.memory_space<semaphore_mem>>)
      %mul3A_175 = arith.constant 128 : i32
      %mul3A_176 = arith.muli %add3A_148, %mul3A_175 : i32
      %multiple_of3A_177 = tpu.assume_multiple %mul3A_176, 128 : i32
      %dma_wait3A_178 = tpu.memref_slice %arg8[%multiple_of3A_177] : memref<5120xi32, #tpu.memory_space<vmem>> -> memref<128xi32, #tpu.memory_space<vmem>>
      %dma_wait3A_179 = arith.constant 0 : i32
      %dma_wait3A_180 = arith.constant 0 : i32
      %dma_wait3A_181 = tpu.memref_slice %arg2[%dma_wait3A_179, %dma_wait3A_180] : memref<10000x128xf32, #tpu.memory_space<hbm>> -> memref<10000x128xf32, #tpu.memory_space<hbm>>
      tpu.wait_indirect_dma semaphore(%arg14 : memref<!tpu.dma_semaphore, #tpu.memory_space<semaphore_mem>>) src(%dma_wait3A_181 : memref<10000x128xf32, #tpu.memory_space<hbm>>) dst(%arg11 : memref<128x128xf32, #tpu.memory_space<vmem>>)
      %mul3A_182 = arith.constant 128 : i32
      %mul3A_183 = arith.muli %add3A_148, %mul3A_182 : i32
      %multiple_of3A_184 = tpu.assume_multiple %mul3A_183, 128 : i32
      %dma_start3A_185 = tpu.memref_slice %arg9[%multiple_of3A_184] : memref<5120xi32, #tpu.memory_space<vmem>> -> memref<128xi32, #tpu.memory_space<vmem>>
      %dma_start3A_186 = arith.constant 0 : i32
      %dma_start3A_187 = arith.constant 0 : i32
      %dma_start3A_188 = tpu.memref_slice %arg7[%dma_start3A_186, %dma_start3A_187] : memref<10032x128xf32, #tpu.memory_space<vmem_shared>> -> memref<10032x128xf32, #tpu.memory_space<vmem_shared>>
      tpu.enqueue_indirect_dma source(%arg11 : memref<128x128xf32, #tpu.memory_space<vmem>>) target(%dma_start3A_188 : memref<10032x128xf32, #tpu.memory_space<vmem_shared>>) offsets(%dma_start3A_185 : memref<128xi32, #tpu.memory_space<vmem>>) semaphore(%arg16 : memref<!tpu.dma_semaphore, #tpu.memory_space<semaphore_mem>>) {add = true}
      %add3A_189 = arith.constant 2 : i32
      %add3A_190 = arith.addi %mul3A_146, %add3A_189 : i32
      %lt3A_191 = arith.constant 40 : i32
      %lt3A_192 = arith.cmpi slt, %add3A_190, %lt3A_191 : i32
      %convert_element_type3A_193 = arith.extui %lt3A_192 : i1 to i32
      %cond3A_194 = arith.constant 0 : i32
      %cond3A_195 = arith.cmpi ne, %convert_element_type3A_193, %cond3A_194 : i32
      scf.if %cond3A_195 {
        %mul3A_196 = arith.constant 128 : i32
        %mul3A_197 = arith.muli %mul3A_146, %mul3A_196 : i32
        %multiple_of3A_198 = tpu.assume_multiple %mul3A_197, 128 : i32
        %dma_wait3A_199 = tpu.memref_slice %arg9[%multiple_of3A_198] : memref<5120xi32, #tpu.memory_space<vmem>> -> memref<128xi32, #tpu.memory_space<vmem>>
        %dma_wait3A_200 = arith.constant 0 : i32
        %dma_wait3A_201 = arith.constant 0 : i32
        %dma_wait3A_202 = tpu.memref_slice %arg7[%dma_wait3A_200, %dma_wait3A_201] : memref<10032x128xf32, #tpu.memory_space<vmem_shared>> -> memref<10032x128xf32, #tpu.memory_space<vmem_shared>>
        tpu.wait_indirect_dma semaphore(%arg15 : memref<!tpu.dma_semaphore, #tpu.memory_space<semaphore_mem>>) src(%arg10 : memref<128x128xf32, #tpu.memory_space<vmem>>) dst(%dma_wait3A_202 : memref<10032x128xf32, #tpu.memory_space<vmem_shared>>)
        %add3A_203 = arith.constant 2 : i32
        %add3A_204 = arith.addi %mul3A_146, %add3A_203 : i32
        %mul3A_205 = arith.constant 128 : i32
        %mul3A_206 = arith.muli %add3A_204, %mul3A_205 : i32
        %multiple_of3A_207 = tpu.assume_multiple %mul3A_206, 128 : i32
        %dma_start3A_208 = tpu.memref_slice %arg8[%multiple_of3A_207] : memref<5120xi32, #tpu.memory_space<vmem>> -> memref<128xi32, #tpu.memory_space<vmem>>
        %dma_start3A_209 = arith.constant 0 : i32
        %dma_start3A_210 = arith.constant 0 : i32
        %dma_start3A_211 = tpu.memref_slice %arg2[%dma_start3A_209, %dma_start3A_210] : memref<10000x128xf32, #tpu.memory_space<hbm>> -> memref<10000x128xf32, #tpu.memory_space<hbm>>
        tpu.enqueue_indirect_dma source(%dma_start3A_211 : memref<10000x128xf32, #tpu.memory_space<hbm>>) target(%arg10 : memref<128x128xf32, #tpu.memory_space<vmem>>) offsets(%dma_start3A_208 : memref<128xi32, #tpu.memory_space<vmem>>) semaphore(%arg13 : memref<!tpu.dma_semaphore, #tpu.memory_space<semaphore_mem>>)
      } else {
      }
    }
    %scan3A_69 = arith.constant 20 : i32
    %multiple_of3A_70 = arith.constant 4864 : i32
    %multiple_of3A_71 = tpu.assume_multiple %multiple_of3A_70, 128 : i32
    %dma_wait3A_72 = tpu.memref_slice %arg9[%multiple_of3A_71] : memref<5120xi32, #tpu.memory_space<vmem>> -> memref<128xi32, #tpu.memory_space<vmem>>
    %dma_wait3A_73 = arith.constant 0 : i32
    %dma_wait3A_74 = arith.constant 0 : i32
    %dma_wait3A_75 = tpu.memref_slice %arg7[%dma_wait3A_73, %dma_wait3A_74] : memref<10032x128xf32, #tpu.memory_space<vmem_shared>> -> memref<10032x128xf32, #tpu.memory_space<vmem_shared>>
    tpu.wait_indirect_dma semaphore(%arg15 : memref<!tpu.dma_semaphore, #tpu.memory_space<semaphore_mem>>) src(%arg10 : memref<128x128xf32, #tpu.memory_space<vmem>>) dst(%dma_wait3A_75 : memref<10032x128xf32, #tpu.memory_space<vmem_shared>>)
    %multiple_of3A_76 = arith.constant 4992 : i32
    %multiple_of3A_77 = tpu.assume_multiple %multiple_of3A_76, 128 : i32
    %dma_wait3A_78 = tpu.memref_slice %arg9[%multiple_of3A_77] : memref<5120xi32, #tpu.memory_space<vmem>> -> memref<128xi32, #tpu.memory_space<vmem>>
    %dma_wait3A_79 = arith.constant 0 : i32
    %dma_wait3A_80 = arith.constant 0 : i32
    %dma_wait3A_81 = tpu.memref_slice %arg7[%dma_wait3A_79, %dma_wait3A_80] : memref<10032x128xf32, #tpu.memory_space<vmem_shared>> -> memref<10032x128xf32, #tpu.memory_space<vmem_shared>>
    tpu.wait_indirect_dma semaphore(%arg16 : memref<!tpu.dma_semaphore, #tpu.memory_space<semaphore_mem>>) src(%arg11 : memref<128x128xf32, #tpu.memory_space<vmem>>) dst(%dma_wait3A_81 : memref<10032x128xf32, #tpu.memory_space<vmem_shared>>)
    %barrier3A_82 = arith.constant 0 : index
    tpu.barrier barrier_id(%barrier3A_82)
    %eq3A_83 = arith.constant 0 : i32
    %eq3A_84 = arith.cmpi eq, %arg0, %eq3A_83 : i32
    %convert_element_type3A_85 = arith.extui %eq3A_84 : i1 to i32
    %cond3A_86 = arith.constant 0 : i32
    %cond3A_87 = arith.cmpi ne, %convert_element_type3A_85, %cond3A_86 : i32
    scf.if %cond3A_87 {
      "tpu.region"() ({
        %run_scoped3A = tpu.sem_alloc : memref<!tpu.dma_semaphore, #tpu.memory_space<semaphore_mem>>
        %dma_start3A_98 = arith.constant 0 : i32
        %dma_start3A_99 = tpu.memref_slice %arg5[%mul3A_15, %dma_start3A_98] : memref<10000x128xf32, #tpu.memory_space<hbm>> -> memref<624x128xf32, #tpu.memory_space<hbm>>
        %dma_start3A_100 = arith.constant 0 : i32
        %dma_start3A_101 = tpu.memref_slice %arg7[%mul3A_15, %dma_start3A_100] : memref<10032x128xf32, #tpu.memory_space<vmem_shared>> -> memref<624x128xf32, #tpu.memory_space<vmem_shared>>
        tpu.enqueue_dma source(%dma_start3A_101 : memref<624x128xf32, #tpu.memory_space<vmem_shared>>) target(%dma_start3A_99 : memref<624x128xf32, #tpu.memory_space<hbm>>) target_semaphore(%run_scoped3A : memref<!tpu.dma_semaphore, #tpu.memory_space<semaphore_mem>>)
        %dma_wait3A_102 = arith.constant 0 : i32
        %dma_wait3A_103 = tpu.memref_slice %arg5[%mul3A_15, %dma_wait3A_102] : memref<10000x128xf32, #tpu.memory_space<hbm>> -> memref<624x128xf32, #tpu.memory_space<hbm>>
        %dma_wait3A_104 = arith.constant 0 : i32
        %dma_wait3A_105 = tpu.memref_slice %arg7[%mul3A_15, %dma_wait3A_104] : memref<10032x128xf32, #tpu.memory_space<vmem_shared>> -> memref<624x128xf32, #tpu.memory_space<vmem_shared>>
        tpu.wait_dma2 semaphore(%run_scoped3A : memref<!tpu.dma_semaphore, #tpu.memory_space<semaphore_mem>>) src(%dma_wait3A_105 : memref<624x128xf32, #tpu.memory_space<vmem_shared>>) dst(%dma_wait3A_103 : memref<624x128xf32, #tpu.memory_space<hbm>>)
        tpu.yield
      }) : () -> ()
      %eq3A_93 = arith.constant 0 : i32
      %eq3A_94 = arith.cmpi eq, %arg1, %eq3A_93 : i32
      %convert_element_type3A_95 = arith.extui %eq3A_94 : i1 to i32
      %cond3A_96 = arith.constant 0 : i32
      %cond3A_97 = arith.cmpi ne, %convert_element_type3A_95, %cond3A_96 : i32
      scf.if %cond3A_97 {
        "tpu.region"() ({
          %run_scoped3A = tpu.sem_alloc : memref<!tpu.dma_semaphore, #tpu.memory_space<semaphore_mem>>
          %dma_start3A_98 = arith.constant 9984 : i32
          %dma_start3A_99 = arith.constant 0 : i32
          %dma_start3A_100 = tpu.memref_slice %arg5[%dma_start3A_98, %dma_start3A_99] : memref<10000x128xf32, #tpu.memory_space<hbm>> -> memref<16x128xf32, #tpu.memory_space<hbm>>
          %dma_start3A_101 = arith.constant 9984 : i32
          %dma_start3A_102 = arith.constant 0 : i32
          %dma_start3A_103 = tpu.memref_slice %arg7[%dma_start3A_101, %dma_start3A_102] : memref<10032x128xf32, #tpu.memory_space<vmem_shared>> -> memref<16x128xf32, #tpu.memory_space<vmem_shared>>
          tpu.enqueue_dma source(%dma_start3A_103 : memref<16x128xf32, #tpu.memory_space<vmem_shared>>) target(%dma_start3A_100 : memref<16x128xf32, #tpu.memory_space<hbm>>) target_semaphore(%run_scoped3A : memref<!tpu.dma_semaphore, #tpu.memory_space<semaphore_mem>>)
          %dma_wait3A_104 = arith.constant 9984 : i32
          %dma_wait3A_105 = arith.constant 0 : i32
          %dma_wait3A_106 = tpu.memref_slice %arg5[%dma_wait3A_104, %dma_wait3A_105] : memref<10000x128xf32, #tpu.memory_space<hbm>> -> memref<16x128xf32, #tpu.memory_space<hbm>>
          %dma_wait3A_107 = arith.constant 9984 : i32
          %dma_wait3A_108 = arith.constant 0 : i32
          %dma_wait3A_109 = tpu.memref_slice %arg7[%dma_wait3A_107, %dma_wait3A_108] : memref<10032x128xf32, #tpu.memory_space<vmem_shared>> -> memref<16x128xf32, #tpu.memory_space<vmem_shared>>
          tpu.wait_dma2 semaphore(%run_scoped3A : memref<!tpu.dma_semaphore, #tpu.memory_space<semaphore_mem>>) src(%dma_wait3A_109 : memref<16x128xf32, #tpu.memory_space<vmem_shared>>) dst(%dma_wait3A_106 : memref<16x128xf32, #tpu.memory_space<hbm>>)
          tpu.yield
        }) : () -> ()
      } else {
      }
    } else {
    }
    %eq3A_88 = arith.constant 1 : i32
    %eq3A_89 = arith.cmpi eq, %arg0, %eq3A_88 : i32
    %convert_element_type3A_90 = arith.extui %eq3A_89 : i1 to i32
    %cond3A_91 = arith.constant 0 : i32
    %cond3A_92 = arith.cmpi ne, %convert_element_type3A_90, %cond3A_91 : i32
    scf.if %cond3A_92 {
      "tpu.region"() ({
        %run_scoped3A = tpu.sem_alloc : memref<!tpu.dma_semaphore, #tpu.memory_space<semaphore_mem>>
        %dma_start3A_98 = arith.constant 0 : i32
        %dma_start3A_99 = tpu.memref_slice %arg6[%mul3A_15, %dma_start3A_98] : memref<10000x128xf32, #tpu.memory_space<hbm>> -> memref<624x128xf32, #tpu.memory_space<hbm>>
        %dma_start3A_100 = arith.constant 0 : i32
        %dma_start3A_101 = tpu.memref_slice %arg7[%mul3A_15, %dma_start3A_100] : memref<10032x128xf32, #tpu.memory_space<vmem_shared>> -> memref<624x128xf32, #tpu.memory_space<vmem_shared>>
        tpu.enqueue_dma source(%dma_start3A_101 : memref<624x128xf32, #tpu.memory_space<vmem_shared>>) target(%dma_start3A_99 : memref<624x128xf32, #tpu.memory_space<hbm>>) target_semaphore(%run_scoped3A : memref<!tpu.dma_semaphore, #tpu.memory_space<semaphore_mem>>)
        %dma_wait3A_102 = arith.constant 0 : i32
        %dma_wait3A_103 = tpu.memref_slice %arg6[%mul3A_15, %dma_wait3A_102] : memref<10000x128xf32, #tpu.memory_space<hbm>> -> memref<624x128xf32, #tpu.memory_space<hbm>>
        %dma_wait3A_104 = arith.constant 0 : i32
        %dma_wait3A_105 = tpu.memref_slice %arg7[%mul3A_15, %dma_wait3A_104] : memref<10032x128xf32, #tpu.memory_space<vmem_shared>> -> memref<624x128xf32, #tpu.memory_space<vmem_shared>>
        tpu.wait_dma2 semaphore(%run_scoped3A : memref<!tpu.dma_semaphore, #tpu.memory_space<semaphore_mem>>) src(%dma_wait3A_105 : memref<624x128xf32, #tpu.memory_space<vmem_shared>>) dst(%dma_wait3A_103 : memref<624x128xf32, #tpu.memory_space<hbm>>)
        tpu.yield
      }) : () -> ()
      %eq3A_93 = arith.constant 0 : i32
      %eq3A_94 = arith.cmpi eq, %arg1, %eq3A_93 : i32
      %convert_element_type3A_95 = arith.extui %eq3A_94 : i1 to i32
      %cond3A_96 = arith.constant 0 : i32
      %cond3A_97 = arith.cmpi ne, %convert_element_type3A_95, %cond3A_96 : i32
      scf.if %cond3A_97 {
        "tpu.region"() ({
          %run_scoped3A = tpu.sem_alloc : memref<!tpu.dma_semaphore, #tpu.memory_space<semaphore_mem>>
          %dma_start3A_98 = arith.constant 9984 : i32
          %dma_start3A_99 = arith.constant 0 : i32
          %dma_start3A_100 = tpu.memref_slice %arg6[%dma_start3A_98, %dma_start3A_99] : memref<10000x128xf32, #tpu.memory_space<hbm>> -> memref<16x128xf32, #tpu.memory_space<hbm>>
          %dma_start3A_101 = arith.constant 9984 : i32
          %dma_start3A_102 = arith.constant 0 : i32
          %dma_start3A_103 = tpu.memref_slice %arg7[%dma_start3A_101, %dma_start3A_102] : memref<10032x128xf32, #tpu.memory_space<vmem_shared>> -> memref<16x128xf32, #tpu.memory_space<vmem_shared>>
          tpu.enqueue_dma source(%dma_start3A_103 : memref<16x128xf32, #tpu.memory_space<vmem_shared>>) target(%dma_start3A_100 : memref<16x128xf32, #tpu.memory_space<hbm>>) target_semaphore(%run_scoped3A : memref<!tpu.dma_semaphore, #tpu.memory_space<semaphore_mem>>)
          %dma_wait3A_104 = arith.constant 9984 : i32
          %dma_wait3A_105 = arith.constant 0 : i32
          %dma_wait3A_106 = tpu.memref_slice %arg6[%dma_wait3A_104, %dma_wait3A_105] : memref<10000x128xf32, #tpu.memory_space<hbm>> -> memref<16x128xf32, #tpu.memory_space<hbm>>
          %dma_wait3A_107 = arith.constant 9984 : i32
          %dma_wait3A_108 = arith.constant 0 : i32
          %dma_wait3A_109 = tpu.memref_slice %arg7[%dma_wait3A_107, %dma_wait3A_108] : memref<10032x128xf32, #tpu.memory_space<vmem_shared>> -> memref<16x128xf32, #tpu.memory_space<vmem_shared>>
          tpu.wait_dma2 semaphore(%run_scoped3A : memref<!tpu.dma_semaphore, #tpu.memory_space<semaphore_mem>>) src(%dma_wait3A_109 : memref<16x128xf32, #tpu.memory_space<vmem_shared>>) dst(%dma_wait3A_106 : memref<16x128xf32, #tpu.memory_space<hbm>>)
          tpu.yield
        }) : () -> ()
      } else {
      }
    } else {
    }
    return
  }
}

module attributes {stable_mosaic.version = 14 : i64} {
  func.func @body(%arg0: i32, %arg1: memref<1x1xf32, #tpu.memory_space<smem>>, %arg2: memref<1000x128xf32, #tpu.memory_space<vmem>>, %arg3: memref<1000x128xf32, #tpu.memory_space<vmem>>, %arg4: memref<1000x128xf32, #tpu.memory_space<vmem>>, %arg5: memref<128x256xf32, #tpu.memory_space<vmem>>, %arg6: memref<1x256xf32, #tpu.memory_space<vmem>>, %arg7: memref<1x256xf32, #tpu.memory_space<vmem>>, %arg8: memref<1x256xf32, #tpu.memory_space<vmem>>, %arg9: memref<256x128xf32, #tpu.memory_space<vmem>>, %arg10: memref<1x128xf32, #tpu.memory_space<vmem>>, %arg11: memref<1x128xf32, #tpu.memory_space<vmem>>, %arg12: memref<1x128xf32, #tpu.memory_space<vmem>>, %arg13: memref<1000x128xf32, #tpu.memory_space<vmem>>) attributes {dimension_semantics = [#tpu.dimension_semantics<arbitrary>], iteration_bounds = array<i64: 10>, scalar_prefetch = 0 : i64, scratch_operands = 0 : i64, tpu.core_type = #tpu.core_type<tc>, window_params = [{transform_indices = @transform_0, window_bounds = array<i64: 1, 1>}, {transform_indices = @transform_1, window_bounds = array<i64: 1000, 128>}, {transform_indices = @transform_2, window_bounds = array<i64: 1000, 128>}, {transform_indices = @transform_3, window_bounds = array<i64: 1000, 128>}, {pipeline_mode = #tpu.pipeline_mode<synchronous>, transform_indices = @transform_4, window_bounds = array<i64: 128, 256>}, {pipeline_mode = #tpu.pipeline_mode<synchronous>, transform_indices = @transform_5, window_bounds = array<i64: 1, 256>}, {pipeline_mode = #tpu.pipeline_mode<synchronous>, transform_indices = @transform_6, window_bounds = array<i64: 1, 256>}, {pipeline_mode = #tpu.pipeline_mode<synchronous>, transform_indices = @transform_7, window_bounds = array<i64: 1, 256>}, {pipeline_mode = #tpu.pipeline_mode<synchronous>, transform_indices = @transform_8, window_bounds = array<i64: 256, 128>}, {pipeline_mode = #tpu.pipeline_mode<synchronous>, transform_indices = @transform_9, window_bounds = array<i64: 1, 128>}, {pipeline_mode = #tpu.pipeline_mode<synchronous>, transform_indices = @transform_10, window_bounds = array<i64: 1, 128>}, {pipeline_mode = #tpu.pipeline_mode<synchronous>, transform_indices = @transform_11, window_bounds = array<i64: 1, 128>}, {transform_indices = @transform_12, window_bounds = array<i64: 1000, 128>}]} {
    %get3A = arith.constant 0 : index
    %get3A_0 = arith.constant 0 : index
    %get3A_1 = vector.load %arg7[%get3A, %get3A_0] : memref<1x256xf32, #tpu.memory_space<vmem>>, vector<1x256xf32>
    %mul3A = arith.constant 0.999994993 : f32
    %mul3A_2 = vector.broadcast %mul3A : f32 to vector<1x256xf32>
    %mul3A_3 = arith.mulf %mul3A_2, %get3A_1 : vector<1x256xf32>
    %get3A_4 = arith.constant 0 : index
    %get3A_5 = arith.constant 0 : index
    %get3A_6 = vector.load %arg6[%get3A_4, %get3A_5] : memref<1x256xf32, #tpu.memory_space<vmem>>, vector<1x256xf32>
    %mul3A_7 = arith.mulf %get3A_6, %mul3A_3 : vector<1x256xf32>
    %get3A_8 = arith.constant 0 : index
    %get3A_9 = arith.constant 0 : index
    %get3A_10 = vector.load %arg8[%get3A_8, %get3A_9] : memref<1x256xf32, #tpu.memory_space<vmem>>, vector<1x256xf32>
    %add3A = arith.addf %mul3A_7, %get3A_10 : vector<1x256xf32>
    %get3A_11 = arith.constant 0 : index
    %get3A_12 = arith.constant 0 : index
    %get3A_13 = vector.load %arg11[%get3A_11, %get3A_12] : memref<1x128xf32, #tpu.memory_space<vmem>>, vector<1x128xf32>
    %mul3A_14 = arith.constant 0.999994993 : f32
    %mul3A_15 = vector.broadcast %mul3A_14 : f32 to vector<1x128xf32>
    %mul3A_16 = arith.mulf %mul3A_15, %get3A_13 : vector<1x128xf32>
    %get3A_17 = arith.constant 0 : index
    %get3A_18 = arith.constant 0 : index
    %get3A_19 = vector.load %arg10[%get3A_17, %get3A_18] : memref<1x128xf32, #tpu.memory_space<vmem>>, vector<1x128xf32>
    %mul3A_20 = arith.mulf %get3A_19, %mul3A_16 : vector<1x128xf32>
    %get3A_21 = arith.constant 0 : index
    %get3A_22 = arith.constant 0 : index
    %get3A_23 = vector.load %arg12[%get3A_21, %get3A_22] : memref<1x128xf32, #tpu.memory_space<vmem>>, vector<1x128xf32>
    %add3A_24 = arith.addf %mul3A_20, %get3A_23 : vector<1x128xf32>
    %get3A_25 = arith.constant 0 : index
    %get3A_26 = arith.constant 0 : index
    %get3A_27 = memref.load %arg1[%get3A_25, %get3A_26] : memref<1x1xf32, #tpu.memory_space<smem>>
    %get3A_28 = arith.constant 0 : index
    %get3A_29 = arith.constant 0 : index
    %get3A_30 = vector.load %arg2[%get3A_28, %get3A_29] : memref<1000x128xf32, #tpu.memory_space<vmem>>, vector<1000x128xf32>
    %mul3A_31 = vector.broadcast %get3A_27 : f32 to vector<1000x128xf32>
    %mul3A_32 = arith.mulf %mul3A_31, %get3A_30 : vector<1000x128xf32>
    %get3A_33 = arith.constant 0 : index
    %get3A_34 = arith.constant 0 : index
    %get3A_35 = vector.load %arg3[%get3A_33, %get3A_34] : memref<1000x128xf32, #tpu.memory_space<vmem>>, vector<1000x128xf32>
    %add3A_36 = arith.addf %mul3A_32, %get3A_35 : vector<1000x128xf32>
    %get3A_37 = arith.constant 0 : index
    %get3A_38 = arith.constant 0 : index
    %get3A_39 = vector.load %arg4[%get3A_37, %get3A_38] : memref<1000x128xf32, #tpu.memory_space<vmem>>, vector<1000x128xf32>
    %add3A_40 = arith.addf %add3A_36, %get3A_39 : vector<1000x128xf32>
    %get3A_41 = arith.constant 0 : index
    %get3A_42 = arith.constant 0 : index
    %get3A_43 = vector.load %arg5[%get3A_41, %get3A_42] : memref<128x256xf32, #tpu.memory_space<vmem>>, vector<128x256xf32>
    %mul3A_44 = vector.broadcast %mul3A_3 : vector<1x256xf32> to vector<128x256xf32>
    %mul3A_45 = arith.mulf %get3A_43, %mul3A_44 : vector<128x256xf32>
    %dot_general3A = arith.constant dense<0.000000e+00> : vector<1000x256xf32>
    %dot_general3A_46 = tpu.matmul %add3A_40, %mul3A_45, %dot_general3A {dimension_numbers = #tpu.dot_dimension_numbers<[1], [0], [0], [1], [0, 0, 1, 1], [], []>, transpose_lhs_hint = false} : vector<1000x128xf32>, vector<128x256xf32>, vector<1000x256xf32> -> vector<1000x256xf32>
    %add3A_47 = vector.broadcast %add3A : vector<1x256xf32> to vector<1000x256xf32>
    %add3A_48 = arith.addf %dot_general3A_46, %add3A_47 : vector<1000x256xf32>
    %max3A = arith.constant 0.000000e+00 : f32
    %max3A_49 = vector.broadcast %max3A : f32 to vector<1000x256xf32>
    %max3A_50 = arith.maximumf %add3A_48, %max3A_49 : vector<1000x256xf32>
    %get3A_51 = arith.constant 0 : index
    %get3A_52 = arith.constant 0 : index
    %get3A_53 = vector.load %arg9[%get3A_51, %get3A_52] : memref<256x128xf32, #tpu.memory_space<vmem>>, vector<256x128xf32>
    %mul3A_54 = vector.broadcast %mul3A_16 : vector<1x128xf32> to vector<256x128xf32>
    %mul3A_55 = arith.mulf %get3A_53, %mul3A_54 : vector<256x128xf32>
    %dot_general3A_56 = arith.constant dense<0.000000e+00> : vector<1000x128xf32>
    %dot_general3A_57 = tpu.matmul %max3A_50, %mul3A_55, %dot_general3A_56 {dimension_numbers = #tpu.dot_dimension_numbers<[1], [0], [0], [1], [0, 0, 1, 1], [], []>, transpose_lhs_hint = false} : vector<1000x256xf32>, vector<256x128xf32>, vector<1000x128xf32> -> vector<1000x128xf32>
    %add3A_58 = vector.broadcast %add3A_24 : vector<1x128xf32> to vector<1000x128xf32>
    %add3A_59 = arith.addf %dot_general3A_57, %add3A_58 : vector<1000x128xf32>
    %max3A_60 = arith.constant 0.000000e+00 : f32
    %max3A_61 = vector.broadcast %max3A_60 : f32 to vector<1000x128xf32>
    %max3A_62 = arith.maximumf %add3A_59, %max3A_61 : vector<1000x128xf32>
    %swap3A = arith.constant 0 : index
    %swap3A_63 = arith.constant 0 : index
    %swap3A_64 = vector.load %arg13[%swap3A, %swap3A_63] : memref<1000x128xf32, #tpu.memory_space<vmem>>, vector<1000x128xf32>
    tpu.vector_store %arg13[%swap3A, %swap3A_63], %max3A_62 {strides = array<i32>} : memref<1000x128xf32, #tpu.memory_space<vmem>>, vector<1000x128xf32>,
    return
  }
  func.func @transform_0(%arg0: i32) -> (i32, i32) {
    %c0_i32 = arith.constant 0 : i32
    %c0_i32_0 = arith.constant 0 : i32
    %c0_i32_1 = arith.constant 0 : i32
    return %c0_i32, %c0_i32_0 : i32, i32
  }
  func.func @transform_1(%arg0: i32) -> (i32, i32) {
    %c0_i32 = arith.constant 0 : i32
    %c0_i32_0 = arith.constant 0 : i32
    return %arg0, %c0_i32 : i32, i32
  }
  func.func @transform_2(%arg0: i32) -> (i32, i32) {
    %c0_i32 = arith.constant 0 : i32
    %c0_i32_0 = arith.constant 0 : i32
    return %arg0, %c0_i32 : i32, i32
  }
  func.func @transform_3(%arg0: i32) -> (i32, i32) {
    %c0_i32 = arith.constant 0 : i32
    %c0_i32_0 = arith.constant 0 : i32
    return %arg0, %c0_i32 : i32, i32
  }
  func.func @transform_4(%arg0: i32) -> (i32, i32) {
    %c0_i32 = arith.constant 0 : i32
    %c0_i32_0 = arith.constant 0 : i32
    %c0_i32_1 = arith.constant 0 : i32
    return %c0_i32, %c0_i32_0 : i32, i32
  }
  func.func @transform_5(%arg0: i32) -> (i32, i32) {
    %c0_i32 = arith.constant 0 : i32
    %c0_i32_0 = arith.constant 0 : i32
    %c0_i32_1 = arith.constant 0 : i32
    return %c0_i32, %c0_i32_0 : i32, i32
  }
  func.func @transform_6(%arg0: i32) -> (i32, i32) {
    %c0_i32 = arith.constant 0 : i32
    %c0_i32_0 = arith.constant 0 : i32
    %c0_i32_1 = arith.constant 0 : i32
    return %c0_i32, %c0_i32_0 : i32, i32
  }
  func.func @transform_7(%arg0: i32) -> (i32, i32) {
    %c0_i32 = arith.constant 0 : i32
    %c0_i32_0 = arith.constant 0 : i32
    %c0_i32_1 = arith.constant 0 : i32
    return %c0_i32, %c0_i32_0 : i32, i32
  }
  func.func @transform_8(%arg0: i32) -> (i32, i32) {
    %c0_i32 = arith.constant 0 : i32
    %c0_i32_0 = arith.constant 0 : i32
    %c0_i32_1 = arith.constant 0 : i32
    return %c0_i32, %c0_i32_0 : i32, i32
  }
  func.func @transform_9(%arg0: i32) -> (i32, i32) {
    %c0_i32 = arith.constant 0 : i32
    %c0_i32_0 = arith.constant 0 : i32
    %c0_i32_1 = arith.constant 0 : i32
    return %c0_i32, %c0_i32_0 : i32, i32
  }
  func.func @transform_10(%arg0: i32) -> (i32, i32) {
    %c0_i32 = arith.constant 0 : i32
    %c0_i32_0 = arith.constant 0 : i32
    %c0_i32_1 = arith.constant 0 : i32
    return %c0_i32, %c0_i32_0 : i32, i32
  }
  func.func @transform_11(%arg0: i32) -> (i32, i32) {
    %c0_i32 = arith.constant 0 : i32
    %c0_i32_0 = arith.constant 0 : i32
    %c0_i32_1 = arith.constant 0 : i32
    return %c0_i32, %c0_i32_0 : i32, i32
  }
  func.func @transform_12(%arg0: i32) -> (i32, i32) {
    %c0_i32 = arith.constant 0 : i32
    %c0_i32_0 = arith.constant 0 : i32
    return %arg0, %c0_i32 : i32, i32
  }
}

</mosaic_0001>

<sc_bundles>
// kernel: kernel.4.cloned.1.call-start
scs
__scs_entry_jumppad:
0x0: {  	(pc) =	sbr.rel $0x88, $3  }
0x1: {  	(tag) =	ssettag $0x0;
	lr =	simm.s32 $0x1  }
0x2: {  	[smem:$0x3F96] =	sst lr;
	_ =	strace $0xD0000000  }
0x3: {  	_ = 	snop  }
0x4: {  	_ = 	snop  }
0x5: {  	_ = 	snop  }
0x6: {  	_ = 	snop  }
0x7: {  	_ = 	snop  }
__scs_overlays_trampoline_lowered:
0x8: {  	[smem:$0x3FA5] =	sst s0  }
0x9: {  	[smem:$0x3FA6] =	sst s1  }
0xa: {  	[smem:$0x3FA7] =	sst s2  }
0xb: {  	[smem:$0x3FA8] =	sst s3  }
0xc: {  	[smem:$0x3FA9] =	sst s4  }
0xd: {  	[smem:$0x3FAA] =	sst s5  }
0xe: {  	[smem:$0x3FAB] =	sst s6  }
0xf: {  	[smem:$0x3FAC] =	sst s7  }
0x10: {  	[smem:$0x3FAD] =	sst s8  }
0x11: {  	[smem:$0x3FAE] =	sst s9;
	s0 =	simm.s32 @!p0 $0x0  }
0x12: {  	s1 =	sld [smem:$0x3F94];
	s0 =	simm.s32 @p0 $0x1  }
0x13: {  	[smem:$0x3FAF] =	sst s0;
	s0 =	simm.s32 @!p1 $0x0  }
0x14: {  	s2 =	sld [smem:$0x3F93];
	s0 =	simm.s32 @p1 $0x1  }
0x15: {  	[smem:$0x3FB0] =	sst s0;
	s0 =	simm.s32 @!p2 $0x0  }
0x16: {  	s3 =	sld [smem:$0x3FDB];
	s0 =	simm.s32 @p2 $0x1  }
0x17: {  	s4 =	simm.s32 $0x1BF5;
	[smem:$0x3FB2] =	sst s0  }
0x18: {  	s0 =	sld [smem:$0x3F95];
	_ =	swait.ge [sflag:s4], $0x0  }
0x19: {  	s7 =	sld [smem:$0x3F96]  }
0x1a: {  	s8 =	sadd.s32 $0xFFFFE003, lr  }
0x1b: {  	s9 =	sadd.s32 $0xFFFFFEF7, lr;
	s5 =	simm.s32 $0xFFFFFFFF;
	p2 =	slt.u32 s8, $0xFFFFF086  }
0x1c: {  	p1 =	slt.u32 s9, $0xF7A;
	s5 =	simm.s32 @!p2 $0x0  }
0x1d: {  	s5 =	simm.s32 @p1 $0x1;
	p0 =	seq.s32 s7, s2  }
0x1e: {  	s7 =	smul.u32 @!p0 $0xF7A, s2;
	p2 =	seq.s32 @!p0 s5, $0x0  }
0x1f: {  	s9 =	smul.u32 $0xF7A, s1;
	s8 =	simm.s32 @!p0 $0x1BF5;
	p2 =	por !p2, p0  }
0x20: {  	[sflag:s8] =	ssyncset.s32 @!p0 $0xFFFFF086;
	s6 =	sadd.s32 @!p0 s3, s7;
	s7 =	simm.s32 @!p0 $0x108  }
0x21: {  	s3 =	sadd.s32 s3, s9;
	s6 =	sadd.s32 @!p0 $0x88, s6;
	s7 =	simm.s32 @p2 $0x1082  }
0x22: {  	[simem:s7], [sflag:s8] =	dma.local @!p0 [hbm:s6], $0xF7A  }
0x23: {  	s9 =	sor.u32 $0xD0000000, s2;
	s6 =	simm.s32 $0x108;
	_ =	swait.ge @!p0 [sflag:s8], $0x0  }
0x24: {  	s3 =	sadd.s32 $0x88, s3;
	s6 =	simm.s32 @!p1 $0x1082;
	[sflag:s4] =	ssyncset.s32 $0xFFFFF086  }
0x25: {  	[simem:s6], [sflag:s4] =	dma.local [hbm:s3], $0xF7A  }
0x26: {  	[smem:$0x3F96] =	sst s1;
	(tag) =	ssettag s2;
	_ =	strace s9  }
0x27: {  	s1 =	sld [smem:$0x3FA6]  }
0x28: {  	s2 =	sld [smem:$0x3FA7]  }
0x29: {  	s4 =	sld [smem:$0x3FA9]  }
0x2a: {  	p0 =	seq.s32 s5, $0x0;
	s5 =	sld [smem:$0x3FAA]  }
0x2b: {  	s6 =	sld [smem:$0x3FAB]  }
0x2c: {  	s7 =	sld [smem:$0x3FAC]  }
0x2d: {  	s3 =	simm.s32 $0x108;
	s8 =	sld [smem:$0x3FAD]  }
0x2e: {  	s3 =	simm.s32 @!p0 $0x1082;
	s9 =	sld [smem:$0x3FAE]  }
0x2f: {  	lr =	sadd.s32 s0, s3;
	s0 =	sld [smem:$0x3FA5]  }
0x30: {  	s3 =	sld [smem:$0x3FA8]  }
0x31: {  	[smem:$0x3FB1] =	sst s10  }
0x32: {  	s10 =	sld [smem:$0x3FAF];
	_ =	sdelay $0x3  }
0x33: {  	p0 =	seq.s32 s10, $0x1;
	s10 =	sld [smem:$0x3FB1];
	_ =	sdelay $0x3  }
0x34: {  	[smem:$0x3FB1] =	sst s10  }
0x35: {  	s10 =	sld [smem:$0x3FB0];
	_ =	sdelay $0x3  }
0x36: {  	p1 =	seq.s32 s10, $0x1;
	s10 =	sld [smem:$0x3FB1];
	_ =	sdelay $0x3  }
0x37: {  	[smem:$0x3FB1] =	sst s10  }
0x38: {  	s10 =	sld [smem:$0x3FB2]  }
0x39: {  	_ = 	snop;
	(pc) =	sbr.ind lr, $3  }
0x3a: {  	_ = 	snop  }
0x3b: {  	_ = 	snop  }
0x3c: {  	p2 =	seq.s32 s10, $0x1;
	s10 =	sld [smem:$0x3FB1]  }
0x3d: {  	_ =	shalt  }
0x3e: {  	_ =	shalt  }
0x3f: {  	_ =	shalt  }
0x40: {  	_ =	shalt  }
0x41: {  	_ =	shalt  }
0x42: {  	_ =	shalt  }
0x43: {  	_ =	shalt  }
0x44: {  	_ =	shalt  }
0x45: {  	_ =	shalt  }
0x46: {  	_ =	shalt  }
0x47: {  	_ =	shalt  }
0x48: {  	_ =	shalt  }
0x49: {  	_ =	shalt  }
0x4a: {  	_ =	shalt  }
0x4b: {  	_ =	shalt  }
0x4c: {  	_ =	shalt  }
0x4d: {  	_ =	shalt  }
0x4e: {  	_ =	shalt  }
0x4f: {  	_ =	shalt  }
0x50: {  	_ =	shalt  }
0x51: {  	_ =	shalt  }
0x52: {  	_ =	shalt  }
0x53: {  	_ =	shalt  }
0x54: {  	_ =	shalt  }
0x55: {  	_ =	shalt  }
0x56: {  	_ =	shalt  }
0x57: {  	_ =	shalt  }
0x58: {  	_ =	shalt  }
0x59: {  	_ =	shalt  }
0x5a: {  	_ =	shalt  }
0x5b: {  	_ =	shalt  }
0x5c: {  	_ =	shalt  }
0x5d: {  	_ =	shalt  }
0x5e: {  	_ =	shalt  }
0x5f: {  	_ =	shalt  }
0x60: {  	_ =	shalt  }
0x61: {  	_ =	shalt  }
0x62: {  	_ =	shalt  }
0x63: {  	_ =	shalt  }
0x64: {  	_ =	shalt  }
0x65: {  	_ =	shalt  }
0x66: {  	_ =	shalt  }
0x67: {  	_ =	shalt  }
0x68: {  	_ =	shalt  }
0x69: {  	_ =	shalt  }
0x6a: {  	_ =	shalt  }
0x6b: {  	_ =	shalt  }
0x6c: {  	_ =	shalt  }
0x6d: {  	_ =	shalt  }
0x6e: {  	_ =	shalt  }
0x6f: {  	_ =	shalt  }
0x70: {  	_ =	shalt  }
0x71: {  	_ =	shalt  }
0x72: {  	_ =	shalt  }
0x73: {  	_ =	shalt  }
0x74: {  	_ =	shalt  }
0x75: {  	_ =	shalt  }
0x76: {  	_ =	shalt  }
0x77: {  	_ =	shalt  }
0x78: {  	_ =	shalt  }
0x79: {  	_ =	shalt  }
0x7a: {  	_ =	shalt  }
0x7b: {  	_ =	shalt  }
0x7c: {  	_ =	shalt  }
0x7d: {  	_ =	shalt  }
0x7e: {  	_ =	shalt  }
0x7f: {  	_ =	shalt  }
0x80: {  	_ =	shalt  }
0x81: {  	_ =	shalt  }
0x82: {  	_ =	shalt  }
0x83: {  	_ =	shalt  }
0x84: {  	_ =	shalt  }
0x85: {  	_ =	shalt  }
0x86: {  	_ =	shalt  }
0x87: {  	_ =	shalt  }
.Lfunc_end0:
.L_simem_size_0:
called_computation_lowered:
.L_overlay_start_0:
0x88: {  	s2 =	sld [smem:$0x3FD9]  }
0x89: {  	s3 =	sld [smem:$0x3FFE];
	_ =	sdelay $0x1  }
0x8a: {  	s1 =	srdreg.scid  }
0x8b: {  	s0 =	sand.u32 $0x1, s1  }
0x8c: {  	s17 =	sshll.u32 s0, $0xA;
	s2 =	sadd.s32 s3, s2  }
0x8d: {  	s2 =	sadd.s32 s2, s17  }
0x8e: {  	[smem:$0x3FBD] =	sst s2  }
0x8f: {  	_ = 	snop  }
0x90: {  	s2 =	sld [smem:$0x3FC9]  }
0x91: {  	s18 =	sld [smem:$0x3FD0];
	(tm) =	ssettm $0x1  }
0x92: {  	s4 =	sld [smem:$0x3FFB];
	_ =	sdelay $0x3  }
0x93: {  	_ =	strace s4  }
0x94: {  	s4 =	sld [smem:$0x3FFC];
	_ =	sdelay $0x3  }
0x95: {  	_ =	strace s4  }
0x96: {  	s4 =	sld [smem:$0x3FFD];
	_ =	sdelay $0x3  }
0x97: {  	_ =	strace s4  }
0x98: {  	_ =	strace $0x8FFFFFFF  }
0x99: {  	s19 =	sld [smem:$0x3FDB];
	_ =	sdelay $0x1  }
0x9a: {  	s5 =	simm.s32 $_scs_section_size  }
0x9b: {  	s6 =	simm.s32 $_size__tile_overlayer_lowered;
	s7 =	simm.s32 $_tile_overlayer_lowered  }
0x9c: {  	s22 =	simm.s32 $0x1BFF;
	s21 =	sshll.u32 s7, $0x1;
	s4 =	sadd.s32 s5, s19  }
0x9d: {  	s8 =	simm.s32 $0x0;
	s20 =	sshll.u32 s6, $0x1;
	s6 =	sadd.s32 s21, s4  }
0x9e: {  	[timem:s8], [sflag:s22] =	dma.local [hbm:s6], s20  }
0x9f: {  	_ =	swait.ge [sflag:s22], s20  }
0xa0: {  	s5 =	ssub.s32 $0x0, s20;
	[sflag:s22] =	ssyncset.done $0x0  }
0xa1: {  	[sflag:s22] =	ssyncadd.s32 s5;
	_ =	sdelay $0x1  }
0xa2: {  	s23 =	simm.s32 $0x1B8B  }
0xa3: {  	_ =	swait.ge [sflag:s23], $0x1  }
0xa4: {  	[sflag:s23] =	ssyncset.done $0x0  }
0xa5: {  	s25 =	simm.s32 $0x1B8E;
	s24 =	sld [smem:$0x3FFE];
	[sflag:s23] =	ssyncadd.s32 $0xFFFFFFFF  }
0xa6: {  	s26 =	simm.s32 $execute0_lowered;
	[smem:$0x3FD2] =	sst s25  }
0xa7: {  	s6 =	sshll.u32 s26, $0x1;
	_ =	strace $0x80000046;
	[dreg:$0x1] =	wrdreg $0xFFFFFFFF  }
0xa8: {  	s28 =	simm.s32 $_size_execute0_lowered;
	s4 =	sadd.s32 s4, s6;
	[dreg:$0x0] =	wrdreg $0x0  }
0xa9: {  	s6 =	sshll.u32 s28, $0x1;
	[dreg:$0x2] =	wrdreg s4  }
0xaa: {  	[dreg:$0x3] =	wrdreg s6  }
0xab: {  	[dreg:$0x4] =	wrdreg $0xC0  }
0xac: {  	_ =	task [dreg:s8], $0x5FFFF  }
0xad: {  	[dreg:$0x1] =	wrdreg $0xFFFFFFFF  }
0xae: {  	[dreg:$0x0] =	wrdreg $0x60  }
0xaf: {  	[dreg:$0x2] =	wrdreg s2  }
0xb0: {  	[dreg:$0x3] =	wrdreg s24  }
0xb1: {  	[dreg:$0x4] =	wrdreg s18  }
0xb2: {  	[dreg:$0x5] =	wrdreg $0x0  }
0xb3: {  	[dreg:$0x6] =	wrdreg $0x9  }
0xb4: {  	_ =	task.clear_ibuf [dreg:s8], $0x7FFFF;
	_ =	strace $0x90000046  }
0xb5: {  	s29 =	simm.s32 $0x9;
	_ =	strace $0x80000048  }
0xb6: {  	_ =	swait.ge [sflag:s29], $0x1  }
0xb7: {  	[sflag:s29] =	ssyncadd.s32 $0xFFFFFFFF  }
0xb8: {  	_ =	strace $0x90000048  }
0xb9: {  	_ =	sfence  }
0xba: {  	s30 =	sld [smem:$0x0];
	_ =	sdelay $0x2  }
0xbb: {  	s31 =	sshll.u32 s1, $0xD;
	s1 =	sshrl.u32 s1, $0x2  }
0xbc: {  	s3 =	sand.u32 $0x4000, s31;
	s1 =	sadd.s32 s1, s30  }
0xbd: {  	s0 =	sor.u32 s3, s0;
	s1 =	sshll.u32 s1, $0x11  }
0xbe: {  	s0 =	sor.u32 s1, s0  }
0xbf: {  	s0 =	sadd.s32 $0x8F2B, s0  }
0xc0: {  	[sflag:s0] =	ssyncadd.remote.s32 $0x1  }
0xc1: {  	_ =	sfence.sel $0xFFFF  }
0xc2: {  	[dreg:$0x0] =	wrdreg $0xFFFFFFFF;
	(pc) =	sbr.abs _section_cstart, $3  }
0xc3: {  	[dreg:$0x1] =	wrdreg $0xFFFFFFFF  }
0xc4: {  	_ =	task.clear_ibuf [dreg:s8], $0x2FFFF;
	_ =	strace $0x9FFFFFFF  }
0xc5: {  	(tm) =	ssettm $0x7FFFFFFF  }
tec
execute0_lowered:
.L_overlay_start_1:
0x0: {  	(tag) =	ssettag $0x1  }
0x1: {  	s1 =	rddreg [dreg:$0x0]  }
0x2: {  	s0 =	rddreg [dreg:$0x1]  }
0x3: {  	s9 =	rddreg [dreg:$0x2]  }
0x4: {  	s3 =	rddreg [dreg:$0x3];
	s2 =	simm.s32 $0x0  }
0x5: {  	s17 =	srdreg.scid;
	s10 =	stileid.u32;
	s28 =	simm.s32 $0x13A00  }
0x6: {  	s29 =	simm.s32 $0x1A180;
	s30 =	simm.s32 $0x14E00;
	s31 =	simm.s32 $0x4  }
0x7: {  	[smem:$0x7FF] =	sst s2;
	s2 =	sand.u32 $0x1, s17;
	s4 =	sshll.u32 s10, $0x1  }
0x8: {  	s5 =	sadd.s32 $0x1E00, s0;
	s6 =	smul.u32 $0x4E000, s10;
	s8 =	sadd.s32 $0xBE00, s0  }
0x9: {  	s11 =	sadd.s32 $0x15E00, s0;
	s14 =	sadd.s32 $0x138000, s3;
	s24 =	smul.u32 $0x2700, s10  }
0xa: {  	p0 =	sne.s32 s10, $0x0;
	p2 =	seq.s32 s10, $0x0;
	s17 =	simm.s32 $0x5  }
0xb: {  	_ =	strace $0x80000047;
	s4 =	sor.u32 s2, s4;
	s7 =	ssub.s32 $0x2, s2  }
0xc: {  	p1 =	seq.s32 s2, $0x1;
	[dreg:$0x5] =	wrdreg s11;
	s2 =	simm.s32 $0x14E80  }
0xd: {  	s4 =	smul.u32 $0x2800, s4;
	s18 =	sshrl.u32 s7, $0x1;
	s6 =	sshrl.u32 s6, $0x2  }
0xe: {  	s25 =	sadd.s32 s9, s24;
	s26 =	sadd.s32 s11, s24;
	s24 =	simm.s32 $0x1  }
0xf: {  	s0 =	ssub.s32 s7, s18;
	s7 =	sadd.s32 s6, s3;
	[dreg:$0xb] =	wrdreg s25  }
0x10: {  	[dreg:$0xc] =	wrdreg s26;
	s25 =	simm.s32 $0x80;
	s26 =	simm.s32 $0x2  }
0x11: {  	s18 =	simm.s32 $0x13B00;
	s6 =	simm.s32 $0x14F00;
	s21 =	sadd.s32 $0x4000, s7  }
0x12: {  	s4 =	sshrl.u32 s4, $0x3;
	s22 =	sadd.s32 $0x8000, s7;
	[dreg:$0x8] =	wrdreg s21  }
0x13: {  	s23 =	sadd.s32 $0xC000, s7;
	s13 =	sadd.s32 $0x10000, s7;
	[dreg:$0x9] =	wrdreg s22  }
0x14: {  	s19 =	sadd.s32 s5, s4;
	s20 =	sadd.s32 s8, s4;
	[dreg:$0xa] =	wrdreg s23  }
.Ltmp0:
0x15: {  	s4 =	sadd.s32 $0x280, s4;
	s21 =	simm.s32 $0x14D80;
	(pc) =	sbr.rel .LBB2_1-.Ltmp0, $4  }
0x16: {  	s22 =	simm.s32 $0x16180;
	s23 =	simm.s32 $0x6;
	[dreg:$0x6] =	wrdreg s19  }
0x17: {  	[dreg:$0x7] =	wrdreg s20;
	s15 =	sadd.s32 s5, s4;
	s16 =	sadd.s32 s8, s4  }
0x18: {  	s19 =	smax.u32 s0, $0x1;
	s20 =	simm.s32 $0x13980;
	s0 =	simm.s32 $0x13A80  }
0x19: {  	v0 =	vimm.f32 $0.0e+00;
	s5 =	simm.s32 $0x13B80;
	s4 =	simm.s32 $0x3;
	s8 =	simm.s32 $0x0  }
.LBB2_12:
0x1a: {  	s10 =	sadd.s32 $0x27000, s10;
	s11 =	sshrl.u32 s14, $0x3  }
0x1b: {  	[hbm:s10], [sflag:s9] =	dma.local [spmem:s11], $0x100  }
0x1c: {  	_ =	swait.ge [sflag:s23], $0x100  }
0x1d: {  	[sflag:s23] =	ssyncset.done $0x0  }
0x1e: {  	[sflag:s23] =	ssyncadd.s32 $0xFFFFFF00  }
.LBB2_13:
0x1f: {  	s8 =	sadd.s32 $0x1, s8  }
0x20: {  	p3 =	sne.s32 s8, s19  }
.Ltmp1:
0x21: {  	_ = 	snop;
	(pc) =	sbr.rel @!p3 .LBB2_14-.Ltmp1, $1  }
0x22: {  	_ =	sdelay $0x3  }
.LBB2_1:
0x23: {  	s9 =	simm.s32 $0x0;
	s10 =	rddreg [dreg:$0x6]  }
0x24: {  	[tilespmem:s20], [sflag:$0x1] =	stream.linear.gather [hbm4b:s10+s9], $0x1400, $0x38;
	[tilespmem:$0x1E180] =	vst v63  }
0x25: {  	s12 =	rddreg [dreg:$0x7]  }
0x26: {  	[tilespmem:s21], [sflag:$0x1] =	stream.linear.gather [hbm4b:s12+s9], $0x1400, $0x38;
	[tilespmem:$0x1E180] =	vst v63  }
0x27: {  	s10 =	simm.s32 $0x200;
	s9 =	simm.s32 $0x0  }
.LBB2_2:
0x28: {  	p3 =	sne.s32 s10, $0xFE00;
	[tilespmem:s9+$0x161F0] =	vst v0  }
0x29: {  	[tilespmem:s9+$0x16180] =	vst v0  }
0x2a: {  	[tilespmem:s9+$0x16190] =	vst v0  }
.Ltmp2:
0x2b: {  	[tilespmem:s9+$0x161A0] =	vst v0;
	(pc) =	sbr.rel @p3 .LBB2_2-.Ltmp2, $4  }
0x2c: {  	[tilespmem:s9+$0x161B0] =	vst v0  }
0x2d: {  	[tilespmem:s9+$0x161C0] =	vst v0  }
0x2e: {  	[tilespmem:s9+$0x161D0] =	vst v0  }
0x2f: {  	[tilespmem:s9+$0x161E0] =	vst v0;
	s9 =	sshra.s32 s10, $0x2;
	s10 =	sadd.s32 $0x200, s10  }
0x30: {  	[tilespmem:s9+$0x161F0] =	vst v0  }
0x31: {  	[tilespmem:s9+$0x16180] =	vst v0  }
0x32: {  	[tilespmem:s9+$0x16190] =	vst v0  }
0x33: {  	[tilespmem:s9+$0x161A0] =	vst v0  }
0x34: {  	[tilespmem:s9+$0x161B0] =	vst v0  }
0x35: {  	[tilespmem:s9+$0x161C0] =	vst v0  }
0x36: {  	[tilespmem:s9+$0x161D0] =	vst v0  }
0x37: {  	[tilespmem:s9+$0x161E0] =	vst v0  }
0x38: {  	[spmem:s7] =	stream.linear.scatter [tilespmem:s22], [sflag:$0x6], $0x4000, $0x38;
	[tilespmem:$0x1E180] =	vst v63  }
0x39: {  	_ =	swait.ge [sflag:s23], $0x4000  }
0x3a: {  	[sflag:s23] =	ssyncset.done $0x0  }
0x3b: {  	s10 =	rddreg [dreg:$0x8];
	[sflag:s23] =	ssyncadd.s32 $0xFFFFC000  }
0x3c: {  	[spmem:s10] =	stream.linear.scatter [tilespmem:s22], [sflag:$0x6], $0x4000, $0x38;
	[tilespmem:$0x1E180] =	vst v63  }
0x3d: {  	_ =	swait.ge [sflag:s23], $0x4000  }
0x3e: {  	[sflag:s23] =	ssyncset.done $0x0  }
0x3f: {  	s11 =	rddreg [dreg:$0x9];
	[sflag:s23] =	ssyncadd.s32 $0xFFFFC000  }
0x40: {  	[spmem:s11] =	stream.linear.scatter [tilespmem:s22], [sflag:$0x6], $0x4000, $0x38;
	[tilespmem:$0x1E180] =	vst v63  }
0x41: {  	_ =	swait.ge [sflag:s23], $0x4000  }
0x42: {  	[sflag:s23] =	ssyncset.done $0x0  }
0x43: {  	s12 =	rddreg [dreg:$0xa];
	[sflag:s23] =	ssyncadd.s32 $0xFFFFC000  }
0x44: {  	[spmem:s12] =	stream.linear.scatter [tilespmem:s22], [sflag:$0x6], $0x4000, $0x38;
	[tilespmem:$0x1E180] =	vst v63  }
0x45: {  	_ =	swait.ge [sflag:s23], $0x4000  }
0x46: {  	[sflag:s23] =	ssyncset.done $0x0  }
0x47: {  	[sflag:s23] =	ssyncadd.s32 $0xFFFFC000  }
0x48: {  	[spmem:s13] =	stream.linear.scatter [tilespmem:s22], [sflag:$0x6], $0x3800, $0x38;
	[tilespmem:$0x1E180] =	vst v63  }
0x49: {  	_ =	swait.ge [sflag:s23], $0x3800  }
0x4a: {  	[sflag:s23] =	ssyncset.done $0x0  }
0x4b: {  	s9 =	simm.s32 @!p0 $0x16180;
	[sflag:s23] =	ssyncadd.s32 $0xFFFFC800  }
0x4c: {  	[spmem:s14] =	stream.linear.scatter @!p0 [tilespmem:s9], [sflag:$0x6], $0x800, $0x38;
	[tilespmem:$0x1E180] =	vst v63  }
0x4d: {  	s9 =	simm.s32 @!p0 $0x6  }
0x4e: {  	_ =	swait.ge @!p0 [sflag:s9], $0x800  }
0x4f: {  	[sflag:s9] =	ssyncset.done @!p0 $0x0  }
0x50: {  	[sflag:s9] =	ssyncadd.s32 @!p0 $0xFFFFF800  }
0x51: {  	_ =	swait.ge [sflag:s24], $0x1400  }
0x52: {  	[sflag:s24] =	ssyncset.done $0x0  }
0x53: {  	[sflag:s24] =	ssyncadd.s32 $0xFFFFEC00  }
0x54: {  	_ =	swait.ge [sflag:s24], $0x1400  }
0x55: {  	[sflag:s24] =	ssyncset.done $0x0  }
0x56: {  	[sflag:s24] =	ssyncadd.s32 $0xFFFFEC00  }
0x57: {  	[bflag:$0x0] =	sbarrier.arrive $0xFFFF  }
0x58: {  	[tilespmem:s22], [sflag:$0x2] =	stream.indirect.gather [hbm4b:s1+s25], $0x80, s20, s25, $0xb8;
	[tilespmem:$0x1E180] =	vst v63  }
0x59: {  	_ =	swait.ge [sflag:s26], $0x4000  }
0x5a: {  	[sflag:s26] =	ssyncset.done $0x0  }
0x5b: {  	[sflag:s26] =	ssyncadd.s32 $0xFFFFC000  }
0x5c: {  	[spmem:s3] =	stream.indirect.scatter.add.f32 [tilespmem:s22], [sflag:$0x4], $0x80, s21, s25, $0xb8;
	[tilespmem:$0x1E180] =	vst v63  }
0x5d: {  	s9 =	simm.s32 $0x3  }
0x5e: {  	[tilespmem:s29], [sflag:$0x3] =	stream.indirect.gather [hbm4b:s1+s25], $0x80, s28, s25, $0xb8;
	[tilespmem:$0x1E180] =	vst v63  }
0x5f: {  	_ =	swait.ge [sflag:s9], $0x4000  }
0x60: {  	[sflag:s9] =	ssyncset.done $0x0  }
0x61: {  	[sflag:s9] =	ssyncadd.s32 $0xFFFFC000  }
0x62: {  	[spmem:s3] =	stream.indirect.scatter.add.f32 [tilespmem:s29], [sflag:$0x5], $0x80, s30, s25, $0xb8;
	[tilespmem:$0x1E180] =	vst v63  }
0x63: {  	_ =	swait.ge [sflag:s31], $0x4000  }
0x64: {  	[sflag:s31] =	ssyncset.done $0x0  }
0x65: {  	[sflag:s31] =	ssyncadd.s32 $0xFFFFC000  }
0x66: {  	[tilespmem:s22], [sflag:$0x2] =	stream.indirect.gather [hbm4b:s1+s25], $0x80, s0, s25, $0xb8;
	[tilespmem:$0x1E180] =	vst v63  }
0x67: {  	_ =	swait.ge [sflag:s26], $0x4000  }
0x68: {  	[sflag:s26] =	ssyncset.done $0x0  }
0x69: {  	[sflag:s26] =	ssyncadd.s32 $0xFFFFC000  }
0x6a: {  	[spmem:s3] =	stream.indirect.scatter.add.f32 [tilespmem:s22], [sflag:$0x4], $0x80, s2, s25, $0xb8;
	[tilespmem:$0x1E180] =	vst v63  }
0x6b: {  	_ =	swait.ge [sflag:s17], $0x4000  }
0x6c: {  	[sflag:s17] =	ssyncset.done $0x0  }
0x6d: {  	[sflag:s17] =	ssyncadd.s32 $0xFFFFC000  }
0x6e: {  	[tilespmem:s29], [sflag:$0x3] =	stream.indirect.gather [hbm4b:s1+s25], $0x80, s18, s25, $0xb8;
	[tilespmem:$0x1E180] =	vst v63  }
0x6f: {  	_ =	swait.ge [sflag:s9], $0x4000  }
0x70: {  	[sflag:s9] =	ssyncset.done $0x0  }
0x71: {  	[sflag:s9] =	ssyncadd.s32 $0xFFFFC000  }
0x72: {  	[spmem:s3] =	stream.indirect.scatter.add.f32 [tilespmem:s29], [sflag:$0x5], $0x80, s6, s25, $0xb8;
	[tilespmem:$0x1E180] =	vst v63  }
0x73: {  	_ =	swait.ge [sflag:s31], $0x4000  }
0x74: {  	[sflag:s31] =	ssyncset.done $0x0  }
0x75: {  	s10 =	simm.s32 $0x0;
	[sflag:s31] =	ssyncadd.s32 $0xFFFFC000  }
0x76: {  	[tilespmem:s22], [sflag:$0x2] =	stream.indirect.gather [hbm4b:s1+s25], $0x80, s5, s25, $0xb8;
	[tilespmem:$0x1E180] =	vst v63  }
.LBB2_4:
0x77: {  	_ =	swait.ge [sflag:s26], $0x4000  }
0x78: {  	s11 =	sshra.s32 s10, $0x2;
	[sflag:s26] =	ssyncset.done $0x0  }
0x79: {  	s12 =	sadd.s32 $0x14F80, s11;
	[sflag:s26] =	ssyncadd.s32 $0xFFFFC000  }
0x7a: {  	[spmem:s3] =	stream.indirect.scatter.add.f32 [tilespmem:s22], [sflag:$0x4], $0x80, s12, s25, $0xb8;
	[tilespmem:$0x1E180] =	vst v63  }
0x7b: {  	_ =	swait.ge [sflag:s17], $0x4000  }
0x7c: {  	[sflag:s17] =	ssyncset.done $0x0  }
0x7d: {  	s12 =	sadd.s32 $0x13C00, s11;
	[sflag:s17] =	ssyncadd.s32 $0xFFFFC000  }
0x7e: {  	[tilespmem:s29], [sflag:$0x3] =	stream.indirect.gather [hbm4b:s1+s25], $0x80, s12, s25, $0xb8;
	[tilespmem:$0x1E180] =	vst v63  }
0x7f: {  	_ =	swait.ge [sflag:s4], $0x4000  }
0x80: {  	[sflag:s4] =	ssyncset.done $0x0  }
0x81: {  	s12 =	sadd.s32 $0x15000, s11;
	[sflag:s4] =	ssyncadd.s32 $0xFFFFC000  }
0x82: {  	[spmem:s3] =	stream.indirect.scatter.add.f32 [tilespmem:s29], [sflag:$0x5], $0x80, s12, s25, $0xb8;
	[tilespmem:$0x1E180] =	vst v63  }
0x83: {  	_ =	swait.ge [sflag:s31], $0x4000  }
0x84: {  	[sflag:s31] =	ssyncset.done $0x0  }
0x85: {  	s12 =	sadd.s32 $0x13C80, s11;
	[sflag:s31] =	ssyncadd.s32 $0xFFFFC000  }
0x86: {  	[tilespmem:s22], [sflag:$0x2] =	stream.indirect.gather [hbm4b:s1+s25], $0x80, s12, s25, $0xb8;
	[tilespmem:$0x1E180] =	vst v63  }
0x87: {  	_ =	swait.ge [sflag:s26], $0x4000  }
0x88: {  	[sflag:s26] =	ssyncset.done $0x0  }
0x89: {  	s12 =	sadd.s32 $0x15080, s11;
	[sflag:s26] =	ssyncadd.s32 $0xFFFFC000  }
0x8a: {  	[spmem:s3] =	stream.indirect.scatter.add.f32 [tilespmem:s22], [sflag:$0x4], $0x80, s12, s25, $0xb8;
	[tilespmem:$0x1E180] =	vst v63  }
0x8b: {  	_ =	swait.ge [sflag:s17], $0x4000  }
0x8c: {  	[sflag:s17] =	ssyncset.done $0x0  }
0x8d: {  	s12 =	sadd.s32 $0x13D00, s11;
	[sflag:s17] =	ssyncadd.s32 $0xFFFFC000  }
0x8e: {  	[tilespmem:s29], [sflag:$0x3] =	stream.indirect.gather [hbm4b:s1+s25], $0x80, s12, s25, $0xb8;
	[tilespmem:$0x1E180] =	vst v63  }
0x8f: {  	_ =	swait.ge [sflag:s4], $0x4000  }
0x90: {  	p3 =	sgt.u32 s9, $0x12;
	[sflag:s4] =	ssyncset.done $0x0  }
.Ltmp3:
0x91: {  	s12 =	sadd.s32 $0x15100, s11;
	[sflag:s4] =	ssyncadd.s32 $0xFFFFC000;
	(pc) =	sbr.rel @p3 .LBB2_6-.Ltmp3, $4  }
0x92: {  	[spmem:s3] =	stream.indirect.scatter.add.f32 [tilespmem:s29], [sflag:$0x5], $0x80, s12, s25, $0xb8;
	[tilespmem:$0x1E180] =	vst v63  }
0x93: {  	_ =	swait.ge [sflag:s31], $0x4000  }
0x94: {  	[sflag:s31] =	ssyncset.done $0x0  }
0x95: {  	[sflag:s31] =	ssyncadd.s32 $0xFFFFC000  }
.Ltmp4:
0x96: {  	(pc) =	sbr.rel .LBB2_4-.Ltmp4, $3  }
0x97: {  	_ =	sdelay $0x1  }
0x98: {  	s11 =	sadd.s32 $0x13D80, s11;
	s9 =	sadd.s32 $0x2, s9;
	s10 =	sadd.s32 $0x800, s10  }
0x99: {  	[tilespmem:s22], [sflag:$0x2] =	stream.indirect.gather [hbm4b:s1+s25], $0x80, s11, s25, $0xb8;
	[tilespmem:$0x1E180] =	vst v63  }
.LBB2_6:
0x9a: {  	_ =	swait.ge [sflag:s17], $0x4000  }
0x9b: {  	[sflag:s17] =	ssyncset.done $0x0  }
0x9c: {  	s9 =	simm.s32 $0x0;
	[sflag:s17] =	ssyncadd.s32 $0xFFFFC000  }
0x9d: {  	[tilespmem:s20], [sflag:$0x6] =	stream.linear.gather [hbm4b:s15+s9], $0x1400, $0x38;
	[tilespmem:$0x1E180] =	vst v63  }
0x9e: {  	_ =	swait.ge [sflag:s23], $0x1400  }
0x9f: {  	[sflag:s23] =	ssyncset.done $0x0  }
0xa0: {  	[sflag:s23] =	ssyncadd.s32 $0xFFFFEC00  }
0xa1: {  	[tilespmem:s21], [sflag:$0x6] =	stream.linear.gather [hbm4b:s16+s9], $0x1400, $0x38;
	[tilespmem:$0x1E180] =	vst v63  }
0xa2: {  	_ =	swait.ge [sflag:s23], $0x1400  }
0xa3: {  	[sflag:s23] =	ssyncset.done $0x0  }
0xa4: {  	[sflag:s23] =	ssyncadd.s32 $0xFFFFEC00  }
0xa5: {  	[tilespmem:s22], [sflag:$0x2] =	stream.indirect.gather [hbm4b:s1+s25], $0x80, s20, s25, $0xb8;
	[tilespmem:$0x1E180] =	vst v63  }
0xa6: {  	_ =	swait.ge [sflag:s26], $0x4000  }
0xa7: {  	[sflag:s26] =	ssyncset.done $0x0  }
0xa8: {  	[sflag:s26] =	ssyncadd.s32 $0xFFFFC000  }
0xa9: {  	[spmem:s3] =	stream.indirect.scatter.add.f32 [tilespmem:s22], [sflag:$0x4], $0x80, s21, s25, $0xb8;
	[tilespmem:$0x1E180] =	vst v63  }
0xaa: {  	s10 =	simm.s32 $0x3  }
0xab: {  	[tilespmem:s29], [sflag:$0x3] =	stream.indirect.gather [hbm4b:s1+s25], $0x80, s28, s25, $0xb8;
	[tilespmem:$0x1E180] =	vst v63  }
0xac: {  	_ =	swait.ge [sflag:s10], $0x4000  }
0xad: {  	[sflag:s10] =	ssyncset.done $0x0  }
0xae: {  	[sflag:s10] =	ssyncadd.s32 $0xFFFFC000  }
0xaf: {  	[spmem:s3] =	stream.indirect.scatter.add.f32 [tilespmem:s29], [sflag:$0x5], $0x80, s30, s25, $0xb8;
	[tilespmem:$0x1E180] =	vst v63  }
0xb0: {  	_ =	swait.ge [sflag:s31], $0x4000  }
0xb1: {  	[sflag:s31] =	ssyncset.done $0x0  }
0xb2: {  	[sflag:s31] =	ssyncadd.s32 $0xFFFFC000  }
0xb3: {  	[tilespmem:s22], [sflag:$0x2] =	stream.indirect.gather [hbm4b:s1+s25], $0x80, s0, s25, $0xb8;
	[tilespmem:$0x1E180] =	vst v63  }
0xb4: {  	_ =	swait.ge [sflag:s26], $0x4000  }
0xb5: {  	[sflag:s26] =	ssyncset.done $0x0  }
0xb6: {  	[sflag:s26] =	ssyncadd.s32 $0xFFFFC000  }
0xb7: {  	[spmem:s3] =	stream.indirect.scatter.add.f32 [tilespmem:s22], [sflag:$0x4], $0x80, s2, s25, $0xb8;
	[tilespmem:$0x1E180] =	vst v63  }
0xb8: {  	_ =	swait.ge [sflag:s17], $0x4000  }
0xb9: {  	[sflag:s17] =	ssyncset.done $0x0  }
0xba: {  	[sflag:s17] =	ssyncadd.s32 $0xFFFFC000  }
0xbb: {  	[tilespmem:s29], [sflag:$0x3] =	stream.indirect.gather [hbm4b:s1+s25], $0x80, s18, s25, $0xb8;
	[tilespmem:$0x1E180] =	vst v63  }
0xbc: {  	_ =	swait.ge [sflag:s10], $0x4000  }
0xbd: {  	[sflag:s10] =	ssyncset.done $0x0  }
0xbe: {  	[sflag:s10] =	ssyncadd.s32 $0xFFFFC000  }
0xbf: {  	[spmem:s3] =	stream.indirect.scatter.add.f32 [tilespmem:s29], [sflag:$0x5], $0x80, s6, s25, $0xb8;
	[tilespmem:$0x1E180] =	vst v63  }
0xc0: {  	_ =	swait.ge [sflag:s31], $0x4000  }
0xc1: {  	[sflag:s31] =	ssyncset.done $0x0  }
0xc2: {  	[sflag:s31] =	ssyncadd.s32 $0xFFFFC000  }
0xc3: {  	[tilespmem:s22], [sflag:$0x2] =	stream.indirect.gather [hbm4b:s1+s25], $0x80, s5, s25, $0xb8;
	[tilespmem:$0x1E180] =	vst v63  }
.LBB2_7:
0xc4: {  	_ =	swait.ge [sflag:s26], $0x4000  }
0xc5: {  	s11 =	sshra.s32 s9, $0x2;
	[sflag:s26] =	ssyncset.done $0x0  }
0xc6: {  	s12 =	sadd.s32 $0x14F80, s11;
	[sflag:s26] =	ssyncadd.s32 $0xFFFFC000  }
0xc7: {  	[spmem:s3] =	stream.indirect.scatter.add.f32 [tilespmem:s22], [sflag:$0x4], $0x80, s12, s25, $0xb8;
	[tilespmem:$0x1E180] =	vst v63  }
0xc8: {  	_ =	swait.ge [sflag:s17], $0x4000  }
0xc9: {  	[sflag:s17] =	ssyncset.done $0x0  }
0xca: {  	s12 =	sadd.s32 $0x13C00, s11;
	[sflag:s17] =	ssyncadd.s32 $0xFFFFC000  }
0xcb: {  	[tilespmem:s29], [sflag:$0x3] =	stream.indirect.gather [hbm4b:s1+s25], $0x80, s12, s25, $0xb8;
	[tilespmem:$0x1E180] =	vst v63  }
0xcc: {  	_ =	swait.ge [sflag:s4], $0x4000  }
0xcd: {  	[sflag:s4] =	ssyncset.done $0x0  }
0xce: {  	s12 =	sadd.s32 $0x15000, s11;
	[sflag:s4] =	ssyncadd.s32 $0xFFFFC000  }
0xcf: {  	[spmem:s3] =	stream.indirect.scatter.add.f32 [tilespmem:s29], [sflag:$0x5], $0x80, s12, s25, $0xb8;
	[tilespmem:$0x1E180] =	vst v63  }
0xd0: {  	_ =	swait.ge [sflag:s31], $0x4000  }
0xd1: {  	[sflag:s31] =	ssyncset.done $0x0  }
0xd2: {  	s12 =	sadd.s32 $0x13C80, s11;
	[sflag:s31] =	ssyncadd.s32 $0xFFFFC000  }
0xd3: {  	[tilespmem:s22], [sflag:$0x2] =	stream.indirect.gather [hbm4b:s1+s25], $0x80, s12, s25, $0xb8;
	[tilespmem:$0x1E180] =	vst v63  }
0xd4: {  	_ =	swait.ge [sflag:s26], $0x4000  }
0xd5: {  	[sflag:s26] =	ssyncset.done $0x0  }
0xd6: {  	s12 =	sadd.s32 $0x15080, s11;
	[sflag:s26] =	ssyncadd.s32 $0xFFFFC000  }
0xd7: {  	[spmem:s3] =	stream.indirect.scatter.add.f32 [tilespmem:s22], [sflag:$0x4], $0x80, s12, s25, $0xb8;
	[tilespmem:$0x1E180] =	vst v63  }
0xd8: {  	_ =	swait.ge [sflag:s17], $0x4000  }
0xd9: {  	[sflag:s17] =	ssyncset.done $0x0  }
0xda: {  	s12 =	sadd.s32 $0x13D00, s11;
	[sflag:s17] =	ssyncadd.s32 $0xFFFFC000  }
0xdb: {  	[tilespmem:s29], [sflag:$0x3] =	stream.indirect.gather [hbm4b:s1+s25], $0x80, s12, s25, $0xb8;
	[tilespmem:$0x1E180] =	vst v63  }
0xdc: {  	_ =	swait.ge [sflag:s4], $0x4000  }
0xdd: {  	p3 =	sgt.u32 s10, $0x12;
	[sflag:s4] =	ssyncset.done $0x0  }
.Ltmp5:
0xde: {  	s12 =	sadd.s32 $0x15100, s11;
	[sflag:s4] =	ssyncadd.s32 $0xFFFFC000;
	(pc) =	sbr.rel @p3 .LBB2_9-.Ltmp5, $4  }
0xdf: {  	[spmem:s3] =	stream.indirect.scatter.add.f32 [tilespmem:s29], [sflag:$0x5], $0x80, s12, s25, $0xb8;
	[tilespmem:$0x1E180] =	vst v63  }
0xe0: {  	_ =	swait.ge [sflag:s31], $0x4000  }
0xe1: {  	[sflag:s31] =	ssyncset.done $0x0  }
0xe2: {  	[sflag:s31] =	ssyncadd.s32 $0xFFFFC000  }
.Ltmp6:
0xe3: {  	(pc) =	sbr.rel .LBB2_7-.Ltmp6, $3  }
0xe4: {  	_ =	sdelay $0x1  }
0xe5: {  	s11 =	sadd.s32 $0x13D80, s11;
	s10 =	sadd.s32 $0x2, s10;
	s9 =	sadd.s32 $0x800, s9  }
0xe6: {  	[tilespmem:s22], [sflag:$0x2] =	stream.indirect.gather [hbm4b:s1+s25], $0x80, s11, s25, $0xb8;
	[tilespmem:$0x1E180] =	vst v63  }
.LBB2_9:
.Ltmp7:
0xe7: {  	_ =	swait.ge [sflag:s17], $0x4000;
	(pc) =	sbr.rel @!p1 .LBB2_10-.Ltmp7, $4  }
0xe8: {  	[sflag:s17] =	ssyncset.done $0x0  }
0xe9: {  	s9 =	stileid.u32;
	[sflag:s17] =	ssyncadd.s32 $0xFFFFC000  }
0xea: {  	s11 =	sshll.u32 s9, $0x6;
	[bflag:$0x0] =	sbarrier.arrive $0xFFFF  }
0xeb: {  	s10 =	sshrl.u32 s7, $0x3;
	s9 =	sor.u32 $0x1C06, s11  }
0xec: {  	s9 =	sor.u32 $0x1C06, s11;
	s12 =	rddreg [dreg:$0xc]  }
0xed: {  	[hbm:s12], [sflag:s9] =	dma.local [spmem:s10], $0x2700  }
.Ltmp8:
0xee: {  	_ = 	snop;
	(pc) =	sbr.rel @p0 .LBB2_13-.Ltmp8, $4  }
.Ltmp9:
0xef: {  	_ = 	snop;
	(pc) =	sbr.rel @!p0 .LBB2_12-.Ltmp9, $4  }
0xf0: {  	_ =	swait.ge [sflag:s23], $0x2700  }
0xf1: {  	[sflag:s23] =	ssyncset.done $0x0  }
0xf2: {  	s10 =	rddreg [dreg:$0x5];
	[sflag:s23] =	ssyncadd.s32 $0xFFFFD900  }
0xf3: {  	_ = 	snop  }
.LBB2_10:
0xf4: {  	s11 =	rddreg [dreg:$0xb]  }
0xf5: {  	[hbm:s11], [sflag:s9] =	dma.local [spmem:s10], $0x2700  }
.Ltmp10:
0xf6: {  	_ = 	snop;
	(pc) =	sbr.rel @!p2 .LBB2_13-.Ltmp10, $4  }
.Ltmp11:
0xf7: {  	_ =	swait.ge [sflag:s23], $0x2700;
	(pc) =	sbr.rel @p2 .LBB2_12-.Ltmp11, $4  }
0xf8: {  	[sflag:s23] =	ssyncset.done $0x0  }
0xf9: {  	[sflag:s23] =	ssyncadd.s32 $0xFFFFD900  }
0xfa: {  	s10 =	rddreg [dreg:$0x2]  }
0xfb: {  	_ = 	snop  }
.LBB2_14:
0xfc: {  	_ =	sfence.sel $0x180000  }
0xfd: {  	[bflag:$0x0] =	sbarrier.arrive $0xFFFF  }
0xfe: {  	_ =	strace $0x90000047  }
0xff: {  	[bflag:$0x2] =	sbarrier.arrive $0xFFFF  }
0x100: {  	s0 =	rddreg [dreg:$0x4]  }
0x101: {  	s0 =	sadd.s32 @!p0 $0x100000, s0  }
0x102: {  	[sflag:s0] =	ssyncadd.tile.s32 @!p0 $0x1;
	_ =	shalt  }
.Lfunc_end2:
_tile_overlayer_lowered:
.L_overlay_start_2:
0x103: {  	(tag) =	ssettag $0x2  }
0x104: {  	s0 =	rddreg [dreg:$0x0];
	s2 =	stileid.u32  }
0x105: {  	s1 =	rddreg [dreg:$0x1];
	p0 =	sne.s32 s2, $0x0  }
0x106: {  	s3 =	rddreg [dreg:$0x2];
	[bflag:$0x3] =	sbarrier.arrive $0xFFFF;
	s2 =	simm.s32 @!p0 $0x1C06  }
0x107: {  	[timem:s3], [sflag:s2] =	dma.local @!p0 [hbm:s0], s1  }
0x108: {  	s0 =	simm.s32 @!p0 $0x6  }
0x109: {  	_ =	swait.ge @!p0 [sflag:s0], s1  }
0x10a: {  	s1 =	ssub.s32 @!p0 $0x0, s1;
	[sflag:s0] =	ssyncset.done @!p0 $0x0  }
0x10b: {  	[sflag:s0] =	ssyncadd.s32 @!p0 s1  }
0x10c: {  	[bflag:$0x3] =	sbarrier.arrive $0xFFFF  }
0x10d: {  	_ =	shalt  }

</sc_bundles>
